<compile_context>
chip_gen: v7x
topology: tpu7x:2x2x1
jax: 0.10.2.dev20260603
libtpu: 0.0.44.dev20260713+nightly
codegen_flags: <defaults>
</compile_context>

<pallas_src>
import jax
import jax.numpy as jnp
from jax import lax
from jax.experimental import pallas as pl
from jax.experimental.pallas import tpu as pltpu
from jax.experimental.pallas import tpu_sc as plsc

N_FIELDS = 26
BATCH = 16384
VOCAB = 100000
EMBED_DIM = 128

_NC = 2
_NS = 16
_NW = _NC * _NS
_ROWS_TOTAL = N_FIELDS * BATCH
_RPW = _ROWS_TOTAL // _NW
_RC = 128
_NCHUNK = _RPW // _RC
_NBUF = 4


_DEPTH = 2


def _body(tab_hbm, ids_hbm, out_hbm, ids_v, *scratch):
    fused = scratch[:_NBUF]
    rows = scratch[_NBUF:2 * _NBUF]
    gsem, osem = scratch[2 * _NBUF:]
    c = lax.axis_index("c")
    s = lax.axis_index("s")
    wid = s * _NC + c
    wbase = wid * _RPW

    pltpu.sync_copy(ids_hbm.at[pl.ds(wbase, _RPW)], ids_v)

    def fire_gather(ci, b):
        off = ((wbase + ci * _RC) >> 14) * VOCAB
        for v in range(_RC // 16):
            fused[b][pl.ds(v * 16, 16)] = ids_v[pl.ds(ci * _RC + v * 16, 16)] + off
        pltpu.async_copy(tab_hbm.at[fused[b]], rows[b], gsem)

    def wait_gather(b):
        pltpu.make_async_copy(tab_hbm.at[fused[b]], rows[b], gsem).wait()

    def fire_out(ci, b):
        pltpu.async_copy(rows[b], out_hbm.at[pl.ds(wbase + ci * _RC, _RC)], osem)

    def drain_out(b):
        pltpu.make_async_copy(out_hbm.at[pl.ds(0, _RC)], rows[b], osem).wait()

    for k in range(_DEPTH):
        fire_gather(k, k)
    for b in range(_NBUF):
        wait_gather(b)
        fire_out(b, b)
        k = b + _DEPTH
        if k >= _NBUF:
            drain_out(k % _NBUF)
        fire_gather(k, k % _NBUF)

    def step(i, carry):
        ci = _NBUF * i + _NBUF
        for b in range(_NBUF):
            wait_gather(b)
            fire_out(ci + b, b)
            drain_out((b + _DEPTH) % _NBUF)
            fire_gather(ci + b + _DEPTH, (b + _DEPTH) % _NBUF)
        return carry

    lax.fori_loop(0, (_NCHUNK - 2 * _NBUF) // _NBUF, step, 0)

    last = _NCHUNK - _NBUF
    for b in range(_NBUF):
        wait_gather(b)
        fire_out(last + b, b)
        if b < _NBUF - _DEPTH:
            drain_out((b + _DEPTH) % _NBUF)
            fire_gather(last + b + _DEPTH, (b + _DEPTH) % _NBUF)
    for b in range(_NBUF):
        drain_out(b)


@jax.jit
def _lookup(tab_flat, ids_flat):
    run = pl.kernel(
        _body,
        out_type=jax.ShapeDtypeStruct((_ROWS_TOTAL, EMBED_DIM), jnp.float32),
        mesh=plsc.VectorSubcoreMesh(core_axis_name="c", subcore_axis_name="s"),
        compiler_params=pltpu.CompilerParams(needs_layout_passes=False),
        scratch_types=(
            [pltpu.VMEM((_RPW,), jnp.int32)]
            + [pltpu.VMEM((_RC,), jnp.int32) for _ in range(_NBUF)]
            + [pltpu.VMEM((_RC, EMBED_DIM), jnp.float32) for _ in range(_NBUF)]
            + [pltpu.SemaphoreType.DMA, pltpu.SemaphoreType.DMA]
        ),
    )
    return run(tab_flat, ids_flat)


def kernel(ids, tables):
    ids_flat = ids.astype(jnp.int32).reshape(_ROWS_TOTAL)
    tab_flat = tables.reshape(N_FIELDS * VOCAB, EMBED_DIM)
    out = _lookup(tab_flat, ids_flat)
    return jnp.transpose(out.reshape(N_FIELDS, BATCH, EMBED_DIM), (1, 0, 2))

# --- scband reference (transcript-rebuilt; emitter-appended) ---
"""Pipeline reference for scband-embedding-layer-38732015075679 (READ-ONLY COPY).

The authoritative reference and input builder live on the scoring server;
editing this copy changes nothing except your own understanding.
"""

import jax, jax.numpy as jnp
import numpy as np

N_FIELDS = 26
BATCH = 16384
VOCAB = 100000
EMBED_DIM = 128


def setup_inputs(seed: int = 0) -> dict:
    key = jax.random.key(seed)
    k_ids, k_tab = jax.random.split(key)
    # id_list in the torch module is a list of (id_tensor[B], field_name) pairs;
    # we pack all field id tensors into one int array of shape [n_fields, batch].
    ids = jax.random.randint(k_ids, (N_FIELDS, BATCH), 0, VOCAB, dtype=jnp.int64)
    # One embedding table per field, init ~ N(0, 0.01), packed as [n_fields, vocab, dim].
    tables = 0.01 * jax.random.normal(k_tab, (N_FIELDS, VOCAB, EMBED_DIM), dtype=jnp.float32)
    return {"ids": ids, "tables": tables}


def reference(ids, tables):
    # For each field f: emb_f = tables[f][ids[f]]  -> [batch, dim], viewed as [batch, 1, dim]
    # Concatenate along axis 1 -> [batch, n_fields, dim]
    # Vectorized: gather per-field rows via take_along_axis.
    emb = jnp.take_along_axis(tables, ids[:, :, None], axis=1)  # [n_fields, batch, dim]
    output = jnp.transpose(emb, (1, 0, 2))  # [batch, n_fields, dim]
    return output

if __name__ == "__main__":
    import jax
    _d = setup_inputs()
    print(jax.jit(kernel)(*tuple(_d.values())))

</pallas_src>

<mosaic_0001>
#map = affine_map<(d0, d1) -> (0, 0)>
#map1 = affine_map<(d0, d1) -> (0)>
module attributes {stable_mosaic.version = 14 : i64} {
  func.func @_body(%arg0: i32, %arg1: i32, %arg2: memref<2600000x128xf32, #tpu.memory_space<hbm>>, %arg3: memref<425984xi32, #tpu.memory_space<hbm>>, %arg4: memref<425984x128xf32, #tpu.memory_space<hbm>>, %arg5: memref<13312xi32, #tpu.memory_space<vmem>>, %arg6: memref<128xi32, #tpu.memory_space<vmem>>, %arg7: memref<128xi32, #tpu.memory_space<vmem>>, %arg8: memref<128xi32, #tpu.memory_space<vmem>>, %arg9: memref<128xi32, #tpu.memory_space<vmem>>, %arg10: memref<128x128xf32, #tpu.memory_space<vmem>>, %arg11: memref<128x128xf32, #tpu.memory_space<vmem>>, %arg12: memref<128x128xf32, #tpu.memory_space<vmem>>, %arg13: memref<128x128xf32, #tpu.memory_space<vmem>>, %arg14: memref<!tpu.dma_semaphore, #tpu.memory_space<semaphore_mem>>, %arg15: memref<!tpu.dma_semaphore, #tpu.memory_space<semaphore_mem>>) attributes {dimension_semantics = [#tpu.dimension_semantics<core_parallel>, #tpu.dimension_semantics<subcore_parallel>], iteration_bounds = array<i64: 2, 16>, scalar_prefetch = 0 : i64, scratch_operands = 11 : i64, tpu.core_type = #tpu.core_type<sc_vector_subcore>, window_params = [{transform_indices = #map}, {transform_indices = #map1}, {transform_indices = #map}]} {
    %mul3A = arith.constant 2 : i32
    %mul3A_0 = arith.muli %arg1, %mul3A : i32
    %add3A = arith.addi %mul3A_0, %arg0 : i32
    %mul3A_1 = arith.constant 13312 : i32
    %mul3A_2 = arith.muli %add3A, %mul3A_1 : i32
    "tpu.region"() ({
      %run_scoped3A = tpu.sem_alloc : memref<!tpu.dma_semaphore, #tpu.memory_space<semaphore_mem>>
      %dma_start3A_579 = tpu.memref_slice %arg3[%mul3A_2] : memref<425984xi32, #tpu.memory_space<hbm>> -> memref<13312xi32, #tpu.memory_space<hbm>>
      %dma_start3A_580 = tpu.memref_slice %arg3[%mul3A_2] : memref<425984xi32, #tpu.memory_space<hbm>> -> memref<13312xi32, #tpu.memory_space<hbm>>
      tpu.enqueue_dma source(%dma_start3A_580 : memref<13312xi32, #tpu.memory_space<hbm>>) target(%arg5 : memref<13312xi32, #tpu.memory_space<vmem>>) target_semaphore(%run_scoped3A : memref<!tpu.dma_semaphore, #tpu.memory_space<semaphore_mem>>)
      %dma_wait3A_581 = tpu.memref_slice %arg3[%mul3A_2] : memref<425984xi32, #tpu.memory_space<hbm>> -> memref<13312xi32, #tpu.memory_space<hbm>>
      %dma_wait3A_582 = tpu.memref_slice %arg3[%mul3A_2] : memref<425984xi32, #tpu.memory_space<hbm>> -> memref<13312xi32, #tpu.memory_space<hbm>>
      tpu.wait_dma2 semaphore(%run_scoped3A : memref<!tpu.dma_semaphore, #tpu.memory_space<semaphore_mem>>) src(%dma_wait3A_582 : memref<13312xi32, #tpu.memory_space<hbm>>) dst(%arg5 : memref<13312xi32, #tpu.memory_space<vmem>>)
      tpu.yield
    }) : () -> ()
    %add3A_3 = arith.constant 0 : i32
    %add3A_4 = arith.addi %mul3A_2, %add3A_3 : i32
    %shift_right_arithmetic3A = arith.constant 14 : i32
    %shift_right_arithmetic3A_5 = arith.shrsi %add3A_4, %shift_right_arithmetic3A : i32
    %mul3A_6 = arith.constant 100000 : i32
    %mul3A_7 = arith.muli %shift_right_arithmetic3A_5, %mul3A_6 : i32
    %get3A = arith.constant 0 : index
    %get3A_8 = tpu.vector_load %arg5[%get3A] {strides = array<i32>} : memref<13312xi32, #tpu.memory_space<vmem>>, vector<16xi32>,
    %add3A_9 = vector.broadcast %mul3A_7 : i32 to vector<16xi32>
    %add3A_10 = arith.addi %get3A_8, %add3A_9 : vector<16xi32>
    %swap3A = arith.constant 0 : index
    %swap3A_11 = tpu.vector_load %arg6[%swap3A] {strides = array<i32>} : memref<128xi32, #tpu.memory_space<vmem>>, vector<16xi32>,
    tpu.vector_store %arg6[%swap3A], %add3A_10 {strides = array<i32>} : memref<128xi32, #tpu.memory_space<vmem>>, vector<16xi32>,
    %get3A_12 = arith.constant 16 : index
    %get3A_13 = tpu.vector_load %arg5[%get3A_12] {strides = array<i32>} : memref<13312xi32, #tpu.memory_space<vmem>>, vector<16xi32>,
    %add3A_14 = vector.broadcast %mul3A_7 : i32 to vector<16xi32>
    %add3A_15 = arith.addi %get3A_13, %add3A_14 : vector<16xi32>
    %swap3A_16 = arith.constant 16 : index
    %swap3A_17 = tpu.vector_load %arg6[%swap3A_16] {strides = array<i32>} : memref<128xi32, #tpu.memory_space<vmem>>, vector<16xi32>,
    tpu.vector_store %arg6[%swap3A_16], %add3A_15 {strides = array<i32>} : memref<128xi32, #tpu.memory_space<vmem>>, vector<16xi32>,
    %get3A_18 = arith.constant 32 : index
    %get3A_19 = tpu.vector_load %arg5[%get3A_18] {strides = array<i32>} : memref<13312xi32, #tpu.memory_space<vmem>>, vector<16xi32>,
    %add3A_20 = vector.broadcast %mul3A_7 : i32 to vector<16xi32>
    %add3A_21 = arith.addi %get3A_19, %add3A_20 : vector<16xi32>
    %swap3A_22 = arith.constant 32 : index
    %swap3A_23 = tpu.vector_load %arg6[%swap3A_22] {strides = array<i32>} : memref<128xi32, #tpu.memory_space<vmem>>, vector<16xi32>,
    tpu.vector_store %arg6[%swap3A_22], %add3A_21 {strides = array<i32>} : memref<128xi32, #tpu.memory_space<vmem>>, vector<16xi32>,
    %get3A_24 = arith.constant 48 : index
    %get3A_25 = tpu.vector_load %arg5[%get3A_24] {strides = array<i32>} : memref<13312xi32, #tpu.memory_space<vmem>>, vector<16xi32>,
    %add3A_26 = vector.broadcast %mul3A_7 : i32 to vector<16xi32>
    %add3A_27 = arith.addi %get3A_25, %add3A_26 : vector<16xi32>
    %swap3A_28 = arith.constant 48 : index
    %swap3A_29 = tpu.vector_load %arg6[%swap3A_28] {strides = array<i32>} : memref<128xi32, #tpu.memory_space<vmem>>, vector<16xi32>,
    tpu.vector_store %arg6[%swap3A_28], %add3A_27 {strides = array<i32>} : memref<128xi32, #tpu.memory_space<vmem>>, vector<16xi32>,
    %get3A_30 = arith.constant 64 : index
    %get3A_31 = tpu.vector_load %arg5[%get3A_30] {strides = array<i32>} : memref<13312xi32, #tpu.memory_space<vmem>>, vector<16xi32>,
    %add3A_32 = vector.broadcast %mul3A_7 : i32 to vector<16xi32>
    %add3A_33 = arith.addi %get3A_31, %add3A_32 : vector<16xi32>
    %swap3A_34 = arith.constant 64 : index
    %swap3A_35 = tpu.vector_load %arg6[%swap3A_34] {strides = array<i32>} : memref<128xi32, #tpu.memory_space<vmem>>, vector<16xi32>,
    tpu.vector_store %arg6[%swap3A_34], %add3A_33 {strides = array<i32>} : memref<128xi32, #tpu.memory_space<vmem>>, vector<16xi32>,
    %get3A_36 = arith.constant 80 : index
    %get3A_37 = tpu.vector_load %arg5[%get3A_36] {strides = array<i32>} : memref<13312xi32, #tpu.memory_space<vmem>>, vector<16xi32>,
    %add3A_38 = vector.broadcast %mul3A_7 : i32 to vector<16xi32>
    %add3A_39 = arith.addi %get3A_37, %add3A_38 : vector<16xi32>
    %swap3A_40 = arith.constant 80 : index
    %swap3A_41 = tpu.vector_load %arg6[%swap3A_40] {strides = array<i32>} : memref<128xi32, #tpu.memory_space<vmem>>, vector<16xi32>,
    tpu.vector_store %arg6[%swap3A_40], %add3A_39 {strides = array<i32>} : memref<128xi32, #tpu.memory_space<vmem>>, vector<16xi32>,
    %get3A_42 = arith.constant 96 : index
    %get3A_43 = tpu.vector_load %arg5[%get3A_42] {strides = array<i32>} : memref<13312xi32, #tpu.memory_space<vmem>>, vector<16xi32>,
    %add3A_44 = vector.broadcast %mul3A_7 : i32 to vector<16xi32>
    %add3A_45 = arith.addi %get3A_43, %add3A_44 : vector<16xi32>
    %swap3A_46 = arith.constant 96 : index
    %swap3A_47 = tpu.vector_load %arg6[%swap3A_46] {strides = array<i32>} : memref<128xi32, #tpu.memory_space<vmem>>, vector<16xi32>,
    tpu.vector_store %arg6[%swap3A_46], %add3A_45 {strides = array<i32>} : memref<128xi32, #tpu.memory_space<vmem>>, vector<16xi32>,
    %get3A_48 = arith.constant 112 : index
    %get3A_49 = tpu.vector_load %arg5[%get3A_48] {strides = array<i32>} : memref<13312xi32, #tpu.memory_space<vmem>>, vector<16xi32>,
    %add3A_50 = vector.broadcast %mul3A_7 : i32 to vector<16xi32>
    %add3A_51 = arith.addi %get3A_49, %add3A_50 : vector<16xi32>
    %swap3A_52 = arith.constant 112 : index
    %swap3A_53 = tpu.vector_load %arg6[%swap3A_52] {strides = array<i32>} : memref<128xi32, #tpu.memory_space<vmem>>, vector<16xi32>,
    tpu.vector_store %arg6[%swap3A_52], %add3A_51 {strides = array<i32>} : memref<128xi32, #tpu.memory_space<vmem>>, vector<16xi32>,
    %dma_start3A = arith.constant 0 : i32
    %dma_start3A_54 = arith.constant 0 : i32
    %dma_start3A_55 = tpu.memref_slice %arg2[%dma_start3A, %dma_start3A_54] : memref<2600000x128xf32, #tpu.memory_space<hbm>> -> memref<2600000x128xf32, #tpu.memory_space<hbm>>
    tpu.enqueue_indirect_dma source(%dma_start3A_55 : memref<2600000x128xf32, #tpu.memory_space<hbm>>) target(%arg10 : memref<128x128xf32, #tpu.memory_space<vmem>>) offsets(%arg6 : memref<128xi32, #tpu.memory_space<vmem>>) semaphore(%arg14 : memref<!tpu.dma_semaphore, #tpu.memory_space<semaphore_mem>>)
    %add3A_56 = arith.constant 128 : i32
    %add3A_57 = arith.addi %mul3A_2, %add3A_56 : i32
    %shift_right_arithmetic3A_58 = arith.constant 14 : i32
    %shift_right_arithmetic3A_59 = arith.shrsi %add3A_57, %shift_right_arithmetic3A_58 : i32
    %mul3A_60 = arith.constant 100000 : i32
    %mul3A_61 = arith.muli %shift_right_arithmetic3A_59, %mul3A_60 : i32
    %get3A_62 = arith.constant 128 : index
    %get3A_63 = tpu.vector_load %arg5[%get3A_62] {strides = array<i32>} : memref<13312xi32, #tpu.memory_space<vmem>>, vector<16xi32>,
    %add3A_64 = vector.broadcast %mul3A_61 : i32 to vector<16xi32>
    %add3A_65 = arith.addi %get3A_63, %add3A_64 : vector<16xi32>
    %swap3A_66 = arith.constant 0 : index
    %swap3A_67 = tpu.vector_load %arg7[%swap3A_66] {strides = array<i32>} : memref<128xi32, #tpu.memory_space<vmem>>, vector<16xi32>,
    tpu.vector_store %arg7[%swap3A_66], %add3A_65 {strides = array<i32>} : memref<128xi32, #tpu.memory_space<vmem>>, vector<16xi32>,
    %get3A_68 = arith.constant 144 : index
    %get3A_69 = tpu.vector_load %arg5[%get3A_68] {strides = array<i32>} : memref<13312xi32, #tpu.memory_space<vmem>>, vector<16xi32>,
    %add3A_70 = vector.broadcast %mul3A_61 : i32 to vector<16xi32>
    %add3A_71 = arith.addi %get3A_69, %add3A_70 : vector<16xi32>
    %swap3A_72 = arith.constant 16 : index
    %swap3A_73 = tpu.vector_load %arg7[%swap3A_72] {strides = array<i32>} : memref<128xi32, #tpu.memory_space<vmem>>, vector<16xi32>,
    tpu.vector_store %arg7[%swap3A_72], %add3A_71 {strides = array<i32>} : memref<128xi32, #tpu.memory_space<vmem>>, vector<16xi32>,
    %get3A_74 = arith.constant 160 : index
    %get3A_75 = tpu.vector_load %arg5[%get3A_74] {strides = array<i32>} : memref<13312xi32, #tpu.memory_space<vmem>>, vector<16xi32>,
    %add3A_76 = vector.broadcast %mul3A_61 : i32 to vector<16xi32>
    %add3A_77 = arith.addi %get3A_75, %add3A_76 : vector<16xi32>
    %swap3A_78 = arith.constant 32 : index
    %swap3A_79 = tpu.vector_load %arg7[%swap3A_78] {strides = array<i32>} : memref<128xi32, #tpu.memory_space<vmem>>, vector<16xi32>,
    tpu.vector_store %arg7[%swap3A_78], %add3A_77 {strides = array<i32>} : memref<128xi32, #tpu.memory_space<vmem>>, vector<16xi32>,
    %get3A_80 = arith.constant 176 : index
    %get3A_81 = tpu.vector_load %arg5[%get3A_80] {strides = array<i32>} : memref<13312xi32, #tpu.memory_space<vmem>>, vector<16xi32>,
    %add3A_82 = vector.broadcast %mul3A_61 : i32 to vector<16xi32>
    %add3A_83 = arith.addi %get3A_81, %add3A_82 : vector<16xi32>
    %swap3A_84 = arith.constant 48 : index
    %swap3A_85 = tpu.vector_load %arg7[%swap3A_84] {strides = array<i32>} : memref<128xi32, #tpu.memory_space<vmem>>, vector<16xi32>,
    tpu.vector_store %arg7[%swap3A_84], %add3A_83 {strides = array<i32>} : memref<128xi32, #tpu.memory_space<vmem>>, vector<16xi32>,
    %get3A_86 = arith.constant 192 : index
    %get3A_87 = tpu.vector_load %arg5[%get3A_86] {strides = array<i32>} : memref<13312xi32, #tpu.memory_space<vmem>>, vector<16xi32>,
    %add3A_88 = vector.broadcast %mul3A_61 : i32 to vector<16xi32>
    %add3A_89 = arith.addi %get3A_87, %add3A_88 : vector<16xi32>
    %swap3A_90 = arith.constant 64 : index
    %swap3A_91 = tpu.vector_load %arg7[%swap3A_90] {strides = array<i32>} : memref<128xi32, #tpu.memory_space<vmem>>, vector<16xi32>,
    tpu.vector_store %arg7[%swap3A_90], %add3A_89 {strides = array<i32>} : memref<128xi32, #tpu.memory_space<vmem>>, vector<16xi32>,
    %get3A_92 = arith.constant 208 : index
    %get3A_93 = tpu.vector_load %arg5[%get3A_92] {strides = array<i32>} : memref<13312xi32, #tpu.memory_space<vmem>>, vector<16xi32>,
    %add3A_94 = vector.broadcast %mul3A_61 : i32 to vector<16xi32>
    %add3A_95 = arith.addi %get3A_93, %add3A_94 : vector<16xi32>
    %swap3A_96 = arith.constant 80 : index
    %swap3A_97 = tpu.vector_load %arg7[%swap3A_96] {strides = array<i32>} : memref<128xi32, #tpu.memory_space<vmem>>, vector<16xi32>,
    tpu.vector_store %arg7[%swap3A_96], %add3A_95 {strides = array<i32>} : memref<128xi32, #tpu.memory_space<vmem>>, vector<16xi32>,
    %get3A_98 = arith.constant 224 : index
    %get3A_99 = tpu.vector_load %arg5[%get3A_98] {strides = array<i32>} : memref<13312xi32, #tpu.memory_space<vmem>>, vector<16xi32>,
    %add3A_100 = vector.broadcast %mul3A_61 : i32 to vector<16xi32>
    %add3A_101 = arith.addi %get3A_99, %add3A_100 : vector<16xi32>
    %swap3A_102 = arith.constant 96 : index
    %swap3A_103 = tpu.vector_load %arg7[%swap3A_102] {strides = array<i32>} : memref<128xi32, #tpu.memory_space<vmem>>, vector<16xi32>,
    tpu.vector_store %arg7[%swap3A_102], %add3A_101 {strides = array<i32>} : memref<128xi32, #tpu.memory_space<vmem>>, vector<16xi32>,
    %get3A_104 = arith.constant 240 : index
    %get3A_105 = tpu.vector_load %arg5[%get3A_104] {strides = array<i32>} : memref<13312xi32, #tpu.memory_space<vmem>>, vector<16xi32>,
    %add3A_106 = vector.broadcast %mul3A_61 : i32 to vector<16xi32>
    %add3A_107 = arith.addi %get3A_105, %add3A_106 : vector<16xi32>
    %swap3A_108 = arith.constant 112 : index
    %swap3A_109 = tpu.vector_load %arg7[%swap3A_108] {strides = array<i32>} : memref<128xi32, #tpu.memory_space<vmem>>, vector<16xi32>,
    tpu.vector_store %arg7[%swap3A_108], %add3A_107 {strides = array<i32>} : memref<128xi32, #tpu.memory_space<vmem>>, vector<16xi32>,
    %dma_start3A_110 = arith.constant 0 : i32
    %dma_start3A_111 = arith.constant 0 : i32
    %dma_start3A_112 = tpu.memref_slice %arg2[%dma_start3A_110, %dma_start3A_111] : memref<2600000x128xf32, #tpu.memory_space<hbm>> -> memref<2600000x128xf32, #tpu.memory_space<hbm>>
    tpu.enqueue_indirect_dma source(%dma_start3A_112 : memref<2600000x128xf32, #tpu.memory_space<hbm>>) target(%arg11 : memref<128x128xf32, #tpu.memory_space<vmem>>) offsets(%arg7 : memref<128xi32, #tpu.memory_space<vmem>>) semaphore(%arg14 : memref<!tpu.dma_semaphore, #tpu.memory_space<semaphore_mem>>)
    %dma_wait3A = arith.constant 0 : i32
    %dma_wait3A_113 = arith.constant 0 : i32
    %dma_wait3A_114 = tpu.memref_slice %arg2[%dma_wait3A, %dma_wait3A_113] : memref<2600000x128xf32, #tpu.memory_space<hbm>> -> memref<2600000x128xf32, #tpu.memory_space<hbm>>
    tpu.wait_indirect_dma semaphore(%arg14 : memref<!tpu.dma_semaphore, #tpu.memory_space<semaphore_mem>>) src(%dma_wait3A_114 : memref<2600000x128xf32, #tpu.memory_space<hbm>>) dst(%arg10 : memref<128x128xf32, #tpu.memory_space<vmem>>)
    %add3A_115 = arith.constant 0 : i32
    %add3A_116 = arith.addi %mul3A_2, %add3A_115 : i32
    %dma_start3A_117 = arith.constant 0 : i32
    %dma_start3A_118 = tpu.memref_slice %arg4[%add3A_116, %dma_start3A_117] : memref<425984x128xf32, #tpu.memory_space<hbm>> -> memref<128x128xf32, #tpu.memory_space<hbm>>
    %dma_start3A_119 = arith.constant 0 : i32
    %dma_start3A_120 = tpu.memref_slice %arg4[%add3A_116, %dma_start3A_119] : memref<425984x128xf32, #tpu.memory_space<hbm>> -> memref<128x128xf32, #tpu.memory_space<hbm>>
    tpu.enqueue_dma source(%arg10 : memref<128x128xf32, #tpu.memory_space<vmem>>) target(%dma_start3A_120 : memref<128x128xf32, #tpu.memory_space<hbm>>) target_semaphore(%arg15 : memref<!tpu.dma_semaphore, #tpu.memory_space<semaphore_mem>>)
    %add3A_121 = arith.constant 256 : i32
    %add3A_122 = arith.addi %mul3A_2, %add3A_121 : i32
    %shift_right_arithmetic3A_123 = arith.constant 14 : i32
    %shift_right_arithmetic3A_124 = arith.shrsi %add3A_122, %shift_right_arithmetic3A_123 : i32
    %mul3A_125 = arith.constant 100000 : i32
    %mul3A_126 = arith.muli %shift_right_arithmetic3A_124, %mul3A_125 : i32
    %get3A_127 = arith.constant 256 : index
    %get3A_128 = tpu.vector_load %arg5[%get3A_127] {strides = array<i32>} : memref<13312xi32, #tpu.memory_space<vmem>>, vector<16xi32>,
    %add3A_129 = vector.broadcast %mul3A_126 : i32 to vector<16xi32>
    %add3A_130 = arith.addi %get3A_128, %add3A_129 : vector<16xi32>
    %swap3A_131 = arith.constant 0 : index
    %swap3A_132 = tpu.vector_load %arg8[%swap3A_131] {strides = array<i32>} : memref<128xi32, #tpu.memory_space<vmem>>, vector<16xi32>,
    tpu.vector_store %arg8[%swap3A_131], %add3A_130 {strides = array<i32>} : memref<128xi32, #tpu.memory_space<vmem>>, vector<16xi32>,
    %get3A_133 = arith.constant 272 : index
    %get3A_134 = tpu.vector_load %arg5[%get3A_133] {strides = array<i32>} : memref<13312xi32, #tpu.memory_space<vmem>>, vector<16xi32>,
    %add3A_135 = vector.broadcast %mul3A_126 : i32 to vector<16xi32>
    %add3A_136 = arith.addi %get3A_134, %add3A_135 : vector<16xi32>
    %swap3A_137 = arith.constant 16 : index
    %swap3A_138 = tpu.vector_load %arg8[%swap3A_137] {strides = array<i32>} : memref<128xi32, #tpu.memory_space<vmem>>, vector<16xi32>,
    tpu.vector_store %arg8[%swap3A_137], %add3A_136 {strides = array<i32>} : memref<128xi32, #tpu.memory_space<vmem>>, vector<16xi32>,
    %get3A_139 = arith.constant 288 : index
    %get3A_140 = tpu.vector_load %arg5[%get3A_139] {strides = array<i32>} : memref<13312xi32, #tpu.memory_space<vmem>>, vector<16xi32>,
    %add3A_141 = vector.broadcast %mul3A_126 : i32 to vector<16xi32>
    %add3A_142 = arith.addi %get3A_140, %add3A_141 : vector<16xi32>
    %swap3A_143 = arith.constant 32 : index
    %swap3A_144 = tpu.vector_load %arg8[%swap3A_143] {strides = array<i32>} : memref<128xi32, #tpu.memory_space<vmem>>, vector<16xi32>,
    tpu.vector_store %arg8[%swap3A_143], %add3A_142 {strides = array<i32>} : memref<128xi32, #tpu.memory_space<vmem>>, vector<16xi32>,
    %get3A_145 = arith.constant 304 : index
    %get3A_146 = tpu.vector_load %arg5[%get3A_145] {strides = array<i32>} : memref<13312xi32, #tpu.memory_space<vmem>>, vector<16xi32>,
    %add3A_147 = vector.broadcast %mul3A_126 : i32 to vector<16xi32>
    %add3A_148 = arith.addi %get3A_146, %add3A_147 : vector<16xi32>
    %swap3A_149 = arith.constant 48 : index
    %swap3A_150 = tpu.vector_load %arg8[%swap3A_149] {strides = array<i32>} : memref<128xi32, #tpu.memory_space<vmem>>, vector<16xi32>,
    tpu.vector_store %arg8[%swap3A_149], %add3A_148 {strides = array<i32>} : memref<128xi32, #tpu.memory_space<vmem>>, vector<16xi32>,
    %get3A_151 = arith.constant 320 : index
    %get3A_152 = tpu.vector_load %arg5[%get3A_151] {strides = array<i32>} : memref<13312xi32, #tpu.memory_space<vmem>>, vector<16xi32>,
    %add3A_153 = vector.broadcast %mul3A_126 : i32 to vector<16xi32>
    %add3A_154 = arith.addi %get3A_152, %add3A_153 : vector<16xi32>
    %swap3A_155 = arith.constant 64 : index
    %swap3A_156 = tpu.vector_load %arg8[%swap3A_155] {strides = array<i32>} : memref<128xi32, #tpu.memory_space<vmem>>, vector<16xi32>,
    tpu.vector_store %arg8[%swap3A_155], %add3A_154 {strides = array<i32>} : memref<128xi32, #tpu.memory_space<vmem>>, vector<16xi32>,
    %get3A_157 = arith.constant 336 : index
    %get3A_158 = tpu.vector_load %arg5[%get3A_157] {strides = array<i32>} : memref<13312xi32, #tpu.memory_space<vmem>>, vector<16xi32>,
    %add3A_159 = vector.broadcast %mul3A_126 : i32 to vector<16xi32>
    %add3A_160 = arith.addi %get3A_158, %add3A_159 : vector<16xi32>
    %swap3A_161 = arith.constant 80 : index
    %swap3A_162 = tpu.vector_load %arg8[%swap3A_161] {strides = array<i32>} : memref<128xi32, #tpu.memory_space<vmem>>, vector<16xi32>,
    tpu.vector_store %arg8[%swap3A_161], %add3A_160 {strides = array<i32>} : memref<128xi32, #tpu.memory_space<vmem>>, vector<16xi32>,
    %get3A_163 = arith.constant 352 : index
    %get3A_164 = tpu.vector_load %arg5[%get3A_163] {strides = array<i32>} : memref<13312xi32, #tpu.memory_space<vmem>>, vector<16xi32>,
    %add3A_165 = vector.broadcast %mul3A_126 : i32 to vector<16xi32>
    %add3A_166 = arith.addi %get3A_164, %add3A_165 : vector<16xi32>
    %swap3A_167 = arith.constant 96 : index
    %swap3A_168 = tpu.vector_load %arg8[%swap3A_167] {strides = array<i32>} : memref<128xi32, #tpu.memory_space<vmem>>, vector<16xi32>,
    tpu.vector_store %arg8[%swap3A_167], %add3A_166 {strides = array<i32>} : memref<128xi32, #tpu.memory_space<vmem>>, vector<16xi32>,
    %get3A_169 = arith.constant 368 : index
    %get3A_170 = tpu.vector_load %arg5[%get3A_169] {strides = array<i32>} : memref<13312xi32, #tpu.memory_space<vmem>>, vector<16xi32>,
    %add3A_171 = vector.broadcast %mul3A_126 : i32 to vector<16xi32>
    %add3A_172 = arith.addi %get3A_170, %add3A_171 : vector<16xi32>
    %swap3A_173 = arith.constant 112 : index
    %swap3A_174 = tpu.vector_load %arg8[%swap3A_173] {strides = array<i32>} : memref<128xi32, #tpu.memory_space<vmem>>, vector<16xi32>,
    tpu.vector_store %arg8[%swap3A_173], %add3A_172 {strides = array<i32>} : memref<128xi32, #tpu.memory_space<vmem>>, vector<16xi32>,
    %dma_start3A_175 = arith.constant 0 : i32
    %dma_start3A_176 = arith.constant 0 : i32
    %dma_start3A_177 = tpu.memref_slice %arg2[%dma_start3A_175, %dma_start3A_176] : memref<2600000x128xf32, #tpu.memory_space<hbm>> -> memref<2600000x128xf32, #tpu.memory_space<hbm>>
    tpu.enqueue_indirect_dma source(%dma_start3A_177 : memref<2600000x128xf32, #tpu.memory_space<hbm>>) target(%arg12 : memref<128x128xf32, #tpu.memory_space<vmem>>) offsets(%arg8 : memref<128xi32, #tpu.memory_space<vmem>>) semaphore(%arg14 : memref<!tpu.dma_semaphore, #tpu.memory_space<semaphore_mem>>)
    %dma_wait3A_178 = arith.constant 0 : i32
    %dma_wait3A_179 = arith.constant 0 : i32
    %dma_wait3A_180 = tpu.memref_slice %arg2[%dma_wait3A_178, %dma_wait3A_179] : memref<2600000x128xf32, #tpu.memory_space<hbm>> -> memref<2600000x128xf32, #tpu.memory_space<hbm>>
    tpu.wait_indirect_dma semaphore(%arg14 : memref<!tpu.dma_semaphore, #tpu.memory_space<semaphore_mem>>) src(%dma_wait3A_180 : memref<2600000x128xf32, #tpu.memory_space<hbm>>) dst(%arg11 : memref<128x128xf32, #tpu.memory_space<vmem>>)
    %add3A_181 = arith.constant 128 : i32
    %add3A_182 = arith.addi %mul3A_2, %add3A_181 : i32
    %dma_start3A_183 = arith.constant 0 : i32
    %dma_start3A_184 = tpu.memref_slice %arg4[%add3A_182, %dma_start3A_183] : memref<425984x128xf32, #tpu.memory_space<hbm>> -> memref<128x128xf32, #tpu.memory_space<hbm>>
    %dma_start3A_185 = arith.constant 0 : i32
    %dma_start3A_186 = tpu.memref_slice %arg4[%add3A_182, %dma_start3A_185] : memref<425984x128xf32, #tpu.memory_space<hbm>> -> memref<128x128xf32, #tpu.memory_space<hbm>>
    tpu.enqueue_dma source(%arg11 : memref<128x128xf32, #tpu.memory_space<vmem>>) target(%dma_start3A_186 : memref<128x128xf32, #tpu.memory_space<hbm>>) target_semaphore(%arg15 : memref<!tpu.dma_semaphore, #tpu.memory_space<semaphore_mem>>)
    %add3A_187 = arith.constant 384 : i32
    %add3A_188 = arith.addi %mul3A_2, %add3A_187 : i32
    %shift_right_arithmetic3A_189 = arith.constant 14 : i32
    %shift_right_arithmetic3A_190 = arith.shrsi %add3A_188, %shift_right_arithmetic3A_189 : i32
    %mul3A_191 = arith.constant 100000 : i32
    %mul3A_192 = arith.muli %shift_right_arithmetic3A_190, %mul3A_191 : i32
    %get3A_193 = arith.constant 384 : index
    %get3A_194 = tpu.vector_load %arg5[%get3A_193] {strides = array<i32>} : memref<13312xi32, #tpu.memory_space<vmem>>, vector<16xi32>,
    %add3A_195 = vector.broadcast %mul3A_192 : i32 to vector<16xi32>
    %add3A_196 = arith.addi %get3A_194, %add3A_195 : vector<16xi32>
    %swap3A_197 = arith.constant 0 : index
    %swap3A_198 = tpu.vector_load %arg9[%swap3A_197] {strides = array<i32>} : memref<128xi32, #tpu.memory_space<vmem>>, vector<16xi32>,
    tpu.vector_store %arg9[%swap3A_197], %add3A_196 {strides = array<i32>} : memref<128xi32, #tpu.memory_space<vmem>>, vector<16xi32>,
    %get3A_199 = arith.constant 400 : index
    %get3A_200 = tpu.vector_load %arg5[%get3A_199] {strides = array<i32>} : memref<13312xi32, #tpu.memory_space<vmem>>, vector<16xi32>,
    %add3A_201 = vector.broadcast %mul3A_192 : i32 to vector<16xi32>
    %add3A_202 = arith.addi %get3A_200, %add3A_201 : vector<16xi32>
    %swap3A_203 = arith.constant 16 : index
    %swap3A_204 = tpu.vector_load %arg9[%swap3A_203] {strides = array<i32>} : memref<128xi32, #tpu.memory_space<vmem>>, vector<16xi32>,
    tpu.vector_store %arg9[%swap3A_203], %add3A_202 {strides = array<i32>} : memref<128xi32, #tpu.memory_space<vmem>>, vector<16xi32>,
    %get3A_205 = arith.constant 416 : index
    %get3A_206 = tpu.vector_load %arg5[%get3A_205] {strides = array<i32>} : memref<13312xi32, #tpu.memory_space<vmem>>, vector<16xi32>,
    %add3A_207 = vector.broadcast %mul3A_192 : i32 to vector<16xi32>
    %add3A_208 = arith.addi %get3A_206, %add3A_207 : vector<16xi32>
    %swap3A_209 = arith.constant 32 : index
    %swap3A_210 = tpu.vector_load %arg9[%swap3A_209] {strides = array<i32>} : memref<128xi32, #tpu.memory_space<vmem>>, vector<16xi32>,
    tpu.vector_store %arg9[%swap3A_209], %add3A_208 {strides = array<i32>} : memref<128xi32, #tpu.memory_space<vmem>>, vector<16xi32>,
    %get3A_211 = arith.constant 432 : index
    %get3A_212 = tpu.vector_load %arg5[%get3A_211] {strides = array<i32>} : memref<13312xi32, #tpu.memory_space<vmem>>, vector<16xi32>,
    %add3A_213 = vector.broadcast %mul3A_192 : i32 to vector<16xi32>
    %add3A_214 = arith.addi %get3A_212, %add3A_213 : vector<16xi32>
    %swap3A_215 = arith.constant 48 : index
    %swap3A_216 = tpu.vector_load %arg9[%swap3A_215] {strides = array<i32>} : memref<128xi32, #tpu.memory_space<vmem>>, vector<16xi32>,
    tpu.vector_store %arg9[%swap3A_215], %add3A_214 {strides = array<i32>} : memref<128xi32, #tpu.memory_space<vmem>>, vector<16xi32>,
    %get3A_217 = arith.constant 448 : index
    %get3A_218 = tpu.vector_load %arg5[%get3A_217] {strides = array<i32>} : memref<13312xi32, #tpu.memory_space<vmem>>, vector<16xi32>,
    %add3A_219 = vector.broadcast %mul3A_192 : i32 to vector<16xi32>
    %add3A_220 = arith.addi %get3A_218, %add3A_219 : vector<16xi32>
    %swap3A_221 = arith.constant 64 : index
    %swap3A_222 = tpu.vector_load %arg9[%swap3A_221] {strides = array<i32>} : memref<128xi32, #tpu.memory_space<vmem>>, vector<16xi32>,
    tpu.vector_store %arg9[%swap3A_221], %add3A_220 {strides = array<i32>} : memref<128xi32, #tpu.memory_space<vmem>>, vector<16xi32>,
    %get3A_223 = arith.constant 464 : index
    %get3A_224 = tpu.vector_load %arg5[%get3A_223] {strides = array<i32>} : memref<13312xi32, #tpu.memory_space<vmem>>, vector<16xi32>,
    %add3A_225 = vector.broadcast %mul3A_192 : i32 to vector<16xi32>
    %add3A_226 = arith.addi %get3A_224, %add3A_225 : vector<16xi32>
    %swap3A_227 = arith.constant 80 : index
    %swap3A_228 = tpu.vector_load %arg9[%swap3A_227] {strides = array<i32>} : memref<128xi32, #tpu.memory_space<vmem>>, vector<16xi32>,
    tpu.vector_store %arg9[%swap3A_227], %add3A_226 {strides = array<i32>} : memref<128xi32, #tpu.memory_space<vmem>>, vector<16xi32>,
    %get3A_229 = arith.constant 480 : index
    %get3A_230 = tpu.vector_load %arg5[%get3A_229] {strides = array<i32>} : memref<13312xi32, #tpu.memory_space<vmem>>, vector<16xi32>,
    %add3A_231 = vector.broadcast %mul3A_192 : i32 to vector<16xi32>
    %add3A_232 = arith.addi %get3A_230, %add3A_231 : vector<16xi32>
    %swap3A_233 = arith.constant 96 : index
    %swap3A_234 = tpu.vector_load %arg9[%swap3A_233] {strides = array<i32>} : memref<128xi32, #tpu.memory_space<vmem>>, vector<16xi32>,
    tpu.vector_store %arg9[%swap3A_233], %add3A_232 {strides = array<i32>} : memref<128xi32, #tpu.memory_space<vmem>>, vector<16xi32>,
    %get3A_235 = arith.constant 496 : index
    %get3A_236 = tpu.vector_load %arg5[%get3A_235] {strides = array<i32>} : memref<13312xi32, #tpu.memory_space<vmem>>, vector<16xi32>,
    %add3A_237 = vector.broadcast %mul3A_192 : i32 to vector<16xi32>
    %add3A_238 = arith.addi %get3A_236, %add3A_237 : vector<16xi32>
    %swap3A_239 = arith.constant 112 : index
    %swap3A_240 = tpu.vector_load %arg9[%swap3A_239] {strides = array<i32>} : memref<128xi32, #tpu.memory_space<vmem>>, vector<16xi32>,
    tpu.vector_store %arg9[%swap3A_239], %add3A_238 {strides = array<i32>} : memref<128xi32, #tpu.memory_space<vmem>>, vector<16xi32>,
    %dma_start3A_241 = arith.constant 0 : i32
    %dma_start3A_242 = arith.constant 0 : i32
    %dma_start3A_243 = tpu.memref_slice %arg2[%dma_start3A_241, %dma_start3A_242] : memref<2600000x128xf32, #tpu.memory_space<hbm>> -> memref<2600000x128xf32, #tpu.memory_space<hbm>>
    tpu.enqueue_indirect_dma source(%dma_start3A_243 : memref<2600000x128xf32, #tpu.memory_space<hbm>>) target(%arg13 : memref<128x128xf32, #tpu.memory_space<vmem>>) offsets(%arg9 : memref<128xi32, #tpu.memory_space<vmem>>) semaphore(%arg14 : memref<!tpu.dma_semaphore, #tpu.memory_space<semaphore_mem>>)
    %dma_wait3A_244 = arith.constant 0 : i32
    %dma_wait3A_245 = arith.constant 0 : i32
    %dma_wait3A_246 = tpu.memref_slice %arg2[%dma_wait3A_244, %dma_wait3A_245] : memref<2600000x128xf32, #tpu.memory_space<hbm>> -> memref<2600000x128xf32, #tpu.memory_space<hbm>>
    tpu.wait_indirect_dma semaphore(%arg14 : memref<!tpu.dma_semaphore, #tpu.memory_space<semaphore_mem>>) src(%dma_wait3A_246 : memref<2600000x128xf32, #tpu.memory_space<hbm>>) dst(%arg12 : memref<128x128xf32, #tpu.memory_space<vmem>>)
    %add3A_247 = arith.constant 256 : i32
    %add3A_248 = arith.addi %mul3A_2, %add3A_247 : i32
    %dma_start3A_249 = arith.constant 0 : i32
    %dma_start3A_250 = tpu.memref_slice %arg4[%add3A_248, %dma_start3A_249] : memref<425984x128xf32, #tpu.memory_space<hbm>> -> memref<128x128xf32, #tpu.memory_space<hbm>>
    %dma_start3A_251 = arith.constant 0 : i32
    %dma_start3A_252 = tpu.memref_slice %arg4[%add3A_248, %dma_start3A_251] : memref<425984x128xf32, #tpu.memory_space<hbm>> -> memref<128x128xf32, #tpu.memory_space<hbm>>
    tpu.enqueue_dma source(%arg12 : memref<128x128xf32, #tpu.memory_space<vmem>>) target(%dma_start3A_252 : memref<128x128xf32, #tpu.memory_space<hbm>>) target_semaphore(%arg15 : memref<!tpu.dma_semaphore, #tpu.memory_space<semaphore_mem>>)
    %dma_wait3A_253 = arith.constant 0 : i32
    %dma_wait3A_254 = arith.constant 0 : i32
    %dma_wait3A_255 = tpu.memref_slice %arg4[%dma_wait3A_253, %dma_wait3A_254] : memref<425984x128xf32, #tpu.memory_space<hbm>> -> memref<128x128xf32, #tpu.memory_space<hbm>>
    %dma_wait3A_256 = arith.constant 0 : i32
    %dma_wait3A_257 = arith.constant 0 : i32
    %dma_wait3A_258 = tpu.memref_slice %arg4[%dma_wait3A_256, %dma_wait3A_257] : memref<425984x128xf32, #tpu.memory_space<hbm>> -> memref<128x128xf32, #tpu.memory_space<hbm>>
    tpu.wait_dma2 semaphore(%arg15 : memref<!tpu.dma_semaphore, #tpu.memory_space<semaphore_mem>>) src(%dma_wait3A_258 : memref<128x128xf32, #tpu.memory_space<hbm>>) dst(%arg10 : memref<128x128xf32, #tpu.memory_space<vmem>>)
    %add3A_259 = arith.constant 512 : i32
    %add3A_260 = arith.addi %mul3A_2, %add3A_259 : i32
    %shift_right_arithmetic3A_261 = arith.constant 14 : i32
    %shift_right_arithmetic3A_262 = arith.shrsi %add3A_260, %shift_right_arithmetic3A_261 : i32
    %mul3A_263 = arith.constant 100000 : i32
    %mul3A_264 = arith.muli %shift_right_arithmetic3A_262, %mul3A_263 : i32
    %get3A_265 = arith.constant 512 : index
    %get3A_266 = tpu.vector_load %arg5[%get3A_265] {strides = array<i32>} : memref<13312xi32, #tpu.memory_space<vmem>>, vector<16xi32>,
    %add3A_267 = vector.broadcast %mul3A_264 : i32 to vector<16xi32>
    %add3A_268 = arith.addi %get3A_266, %add3A_267 : vector<16xi32>
    %swap3A_269 = arith.constant 0 : index
    %swap3A_270 = tpu.vector_load %arg6[%swap3A_269] {strides = array<i32>} : memref<128xi32, #tpu.memory_space<vmem>>, vector<16xi32>,
    tpu.vector_store %arg6[%swap3A_269], %add3A_268 {strides = array<i32>} : memref<128xi32, #tpu.memory_space<vmem>>, vector<16xi32>,
    %get3A_271 = arith.constant 528 : index
    %get3A_272 = tpu.vector_load %arg5[%get3A_271] {strides = array<i32>} : memref<13312xi32, #tpu.memory_space<vmem>>, vector<16xi32>,
    %add3A_273 = vector.broadcast %mul3A_264 : i32 to vector<16xi32>
    %add3A_274 = arith.addi %get3A_272, %add3A_273 : vector<16xi32>
    %swap3A_275 = arith.constant 16 : index
    %swap3A_276 = tpu.vector_load %arg6[%swap3A_275] {strides = array<i32>} : memref<128xi32, #tpu.memory_space<vmem>>, vector<16xi32>,
    tpu.vector_store %arg6[%swap3A_275], %add3A_274 {strides = array<i32>} : memref<128xi32, #tpu.memory_space<vmem>>, vector<16xi32>,
    %get3A_277 = arith.constant 544 : index
    %get3A_278 = tpu.vector_load %arg5[%get3A_277] {strides = array<i32>} : memref<13312xi32, #tpu.memory_space<vmem>>, vector<16xi32>,
    %add3A_279 = vector.broadcast %mul3A_264 : i32 to vector<16xi32>
    %add3A_280 = arith.addi %get3A_278, %add3A_279 : vector<16xi32>
    %swap3A_281 = arith.constant 32 : index
    %swap3A_282 = tpu.vector_load %arg6[%swap3A_281] {strides = array<i32>} : memref<128xi32, #tpu.memory_space<vmem>>, vector<16xi32>,
    tpu.vector_store %arg6[%swap3A_281], %add3A_280 {strides = array<i32>} : memref<128xi32, #tpu.memory_space<vmem>>, vector<16xi32>,
    %get3A_283 = arith.constant 560 : index
    %get3A_284 = tpu.vector_load %arg5[%get3A_283] {strides = array<i32>} : memref<13312xi32, #tpu.memory_space<vmem>>, vector<16xi32>,
    %add3A_285 = vector.broadcast %mul3A_264 : i32 to vector<16xi32>
    %add3A_286 = arith.addi %get3A_284, %add3A_285 : vector<16xi32>
    %swap3A_287 = arith.constant 48 : index
    %swap3A_288 = tpu.vector_load %arg6[%swap3A_287] {strides = array<i32>} : memref<128xi32, #tpu.memory_space<vmem>>, vector<16xi32>,
    tpu.vector_store %arg6[%swap3A_287], %add3A_286 {strides = array<i32>} : memref<128xi32, #tpu.memory_space<vmem>>, vector<16xi32>,
    %get3A_289 = arith.constant 576 : index
    %get3A_290 = tpu.vector_load %arg5[%get3A_289] {strides = array<i32>} : memref<13312xi32, #tpu.memory_space<vmem>>, vector<16xi32>,
    %add3A_291 = vector.broadcast %mul3A_264 : i32 to vector<16xi32>
    %add3A_292 = arith.addi %get3A_290, %add3A_291 : vector<16xi32>
    %swap3A_293 = arith.constant 64 : index
    %swap3A_294 = tpu.vector_load %arg6[%swap3A_293] {strides = array<i32>} : memref<128xi32, #tpu.memory_space<vmem>>, vector<16xi32>,
    tpu.vector_store %arg6[%swap3A_293], %add3A_292 {strides = array<i32>} : memref<128xi32, #tpu.memory_space<vmem>>, vector<16xi32>,
    %get3A_295 = arith.constant 592 : index
    %get3A_296 = tpu.vector_load %arg5[%get3A_295] {strides = array<i32>} : memref<13312xi32, #tpu.memory_space<vmem>>, vector<16xi32>,
    %add3A_297 = vector.broadcast %mul3A_264 : i32 to vector<16xi32>
    %add3A_298 = arith.addi %get3A_296, %add3A_297 : vector<16xi32>
    %swap3A_299 = arith.constant 80 : index
    %swap3A_300 = tpu.vector_load %arg6[%swap3A_299] {strides = array<i32>} : memref<128xi32, #tpu.memory_space<vmem>>, vector<16xi32>,
    tpu.vector_store %arg6[%swap3A_299], %add3A_298 {strides = array<i32>} : memref<128xi32, #tpu.memory_space<vmem>>, vector<16xi32>,
    %get3A_301 = arith.constant 608 : index
    %get3A_302 = tpu.vector_load %arg5[%get3A_301] {strides = array<i32>} : memref<13312xi32, #tpu.memory_space<vmem>>, vector<16xi32>,
    %add3A_303 = vector.broadcast %mul3A_264 : i32 to vector<16xi32>
    %add3A_304 = arith.addi %get3A_302, %add3A_303 : vector<16xi32>
    %swap3A_305 = arith.constant 96 : index
    %swap3A_306 = tpu.vector_load %arg6[%swap3A_305] {strides = array<i32>} : memref<128xi32, #tpu.memory_space<vmem>>, vector<16xi32>,
    tpu.vector_store %arg6[%swap3A_305], %add3A_304 {strides = array<i32>} : memref<128xi32, #tpu.memory_space<vmem>>, vector<16xi32>,
    %get3A_307 = arith.constant 624 : index
    %get3A_308 = tpu.vector_load %arg5[%get3A_307] {strides = array<i32>} : memref<13312xi32, #tpu.memory_space<vmem>>, vector<16xi32>,
    %add3A_309 = vector.broadcast %mul3A_264 : i32 to vector<16xi32>
    %add3A_310 = arith.addi %get3A_308, %add3A_309 : vector<16xi32>
    %swap3A_311 = arith.constant 112 : index
    %swap3A_312 = tpu.vector_load %arg6[%swap3A_311] {strides = array<i32>} : memref<128xi32, #tpu.memory_space<vmem>>, vector<16xi32>,
    tpu.vector_store %arg6[%swap3A_311], %add3A_310 {strides = array<i32>} : memref<128xi32, #tpu.memory_space<vmem>>, vector<16xi32>,
    %dma_start3A_313 = arith.constant 0 : i32
    %dma_start3A_314 = arith.constant 0 : i32
    %dma_start3A_315 = tpu.memref_slice %arg2[%dma_start3A_313, %dma_start3A_314] : memref<2600000x128xf32, #tpu.memory_space<hbm>> -> memref<2600000x128xf32, #tpu.memory_space<hbm>>
    tpu.enqueue_indirect_dma source(%dma_start3A_315 : memref<2600000x128xf32, #tpu.memory_space<hbm>>) target(%arg10 : memref<128x128xf32, #tpu.memory_space<vmem>>) offsets(%arg6 : memref<128xi32, #tpu.memory_space<vmem>>) semaphore(%arg14 : memref<!tpu.dma_semaphore, #tpu.memory_space<semaphore_mem>>)
    %dma_wait3A_316 = arith.constant 0 : i32
    %dma_wait3A_317 = arith.constant 0 : i32
    %dma_wait3A_318 = tpu.memref_slice %arg2[%dma_wait3A_316, %dma_wait3A_317] : memref<2600000x128xf32, #tpu.memory_space<hbm>> -> memref<2600000x128xf32, #tpu.memory_space<hbm>>
    tpu.wait_indirect_dma semaphore(%arg14 : memref<!tpu.dma_semaphore, #tpu.memory_space<semaphore_mem>>) src(%dma_wait3A_318 : memref<2600000x128xf32, #tpu.memory_space<hbm>>) dst(%arg13 : memref<128x128xf32, #tpu.memory_space<vmem>>)
    %add3A_319 = arith.constant 384 : i32
    %add3A_320 = arith.addi %mul3A_2, %add3A_319 : i32
    %dma_start3A_321 = arith.constant 0 : i32
    %dma_start3A_322 = tpu.memref_slice %arg4[%add3A_320, %dma_start3A_321] : memref<425984x128xf32, #tpu.memory_space<hbm>> -> memref<128x128xf32, #tpu.memory_space<hbm>>
    %dma_start3A_323 = arith.constant 0 : i32
    %dma_start3A_324 = tpu.memref_slice %arg4[%add3A_320, %dma_start3A_323] : memref<425984x128xf32, #tpu.memory_space<hbm>> -> memref<128x128xf32, #tpu.memory_space<hbm>>
    tpu.enqueue_dma source(%arg13 : memref<128x128xf32, #tpu.memory_space<vmem>>) target(%dma_start3A_324 : memref<128x128xf32, #tpu.memory_space<hbm>>) target_semaphore(%arg15 : memref<!tpu.dma_semaphore, #tpu.memory_space<semaphore_mem>>)
    %dma_wait3A_325 = arith.constant 0 : i32
    %dma_wait3A_326 = arith.constant 0 : i32
    %dma_wait3A_327 = tpu.memref_slice %arg4[%dma_wait3A_325, %dma_wait3A_326] : memref<425984x128xf32, #tpu.memory_space<hbm>> -> memref<128x128xf32, #tpu.memory_space<hbm>>
    %dma_wait3A_328 = arith.constant 0 : i32
    %dma_wait3A_329 = arith.constant 0 : i32
    %dma_wait3A_330 = tpu.memref_slice %arg4[%dma_wait3A_328, %dma_wait3A_329] : memref<425984x128xf32, #tpu.memory_space<hbm>> -> memref<128x128xf32, #tpu.memory_space<hbm>>
    tpu.wait_dma2 semaphore(%arg15 : memref<!tpu.dma_semaphore, #tpu.memory_space<semaphore_mem>>) src(%dma_wait3A_330 : memref<128x128xf32, #tpu.memory_space<hbm>>) dst(%arg11 : memref<128x128xf32, #tpu.memory_space<vmem>>)
    %add3A_331 = arith.constant 640 : i32
    %add3A_332 = arith.addi %mul3A_2, %add3A_331 : i32
    %shift_right_arithmetic3A_333 = arith.constant 14 : i32
    %shift_right_arithmetic3A_334 = arith.shrsi %add3A_332, %shift_right_arithmetic3A_333 : i32
    %mul3A_335 = arith.constant 100000 : i32
    %mul3A_336 = arith.muli %shift_right_arithmetic3A_334, %mul3A_335 : i32
    %get3A_337 = arith.constant 640 : index
    %get3A_338 = tpu.vector_load %arg5[%get3A_337] {strides = array<i32>} : memref<13312xi32, #tpu.memory_space<vmem>>, vector<16xi32>,
    %add3A_339 = vector.broadcast %mul3A_336 : i32 to vector<16xi32>
    %add3A_340 = arith.addi %get3A_338, %add3A_339 : vector<16xi32>
    %swap3A_341 = arith.constant 0 : index
    %swap3A_342 = tpu.vector_load %arg7[%swap3A_341] {strides = array<i32>} : memref<128xi32, #tpu.memory_space<vmem>>, vector<16xi32>,
    tpu.vector_store %arg7[%swap3A_341], %add3A_340 {strides = array<i32>} : memref<128xi32, #tpu.memory_space<vmem>>, vector<16xi32>,
    %get3A_343 = arith.constant 656 : index
    %get3A_344 = tpu.vector_load %arg5[%get3A_343] {strides = array<i32>} : memref<13312xi32, #tpu.memory_space<vmem>>, vector<16xi32>,
    %add3A_345 = vector.broadcast %mul3A_336 : i32 to vector<16xi32>
    %add3A_346 = arith.addi %get3A_344, %add3A_345 : vector<16xi32>
    %swap3A_347 = arith.constant 16 : index
    %swap3A_348 = tpu.vector_load %arg7[%swap3A_347] {strides = array<i32>} : memref<128xi32, #tpu.memory_space<vmem>>, vector<16xi32>,
    tpu.vector_store %arg7[%swap3A_347], %add3A_346 {strides = array<i32>} : memref<128xi32, #tpu.memory_space<vmem>>, vector<16xi32>,
    %get3A_349 = arith.constant 672 : index
    %get3A_350 = tpu.vector_load %arg5[%get3A_349] {strides = array<i32>} : memref<13312xi32, #tpu.memory_space<vmem>>, vector<16xi32>,
    %add3A_351 = vector.broadcast %mul3A_336 : i32 to vector<16xi32>
    %add3A_352 = arith.addi %get3A_350, %add3A_351 : vector<16xi32>
    %swap3A_353 = arith.constant 32 : index
    %swap3A_354 = tpu.vector_load %arg7[%swap3A_353] {strides = array<i32>} : memref<128xi32, #tpu.memory_space<vmem>>, vector<16xi32>,
    tpu.vector_store %arg7[%swap3A_353], %add3A_352 {strides = array<i32>} : memref<128xi32, #tpu.memory_space<vmem>>, vector<16xi32>,
    %get3A_355 = arith.constant 688 : index
    %get3A_356 = tpu.vector_load %arg5[%get3A_355] {strides = array<i32>} : memref<13312xi32, #tpu.memory_space<vmem>>, vector<16xi32>,
    %add3A_357 = vector.broadcast %mul3A_336 : i32 to vector<16xi32>
    %add3A_358 = arith.addi %get3A_356, %add3A_357 : vector<16xi32>
    %swap3A_359 = arith.constant 48 : index
    %swap3A_360 = tpu.vector_load %arg7[%swap3A_359] {strides = array<i32>} : memref<128xi32, #tpu.memory_space<vmem>>, vector<16xi32>,
    tpu.vector_store %arg7[%swap3A_359], %add3A_358 {strides = array<i32>} : memref<128xi32, #tpu.memory_space<vmem>>, vector<16xi32>,
    %get3A_361 = arith.constant 704 : index
    %get3A_362 = tpu.vector_load %arg5[%get3A_361] {strides = array<i32>} : memref<13312xi32, #tpu.memory_space<vmem>>, vector<16xi32>,
    %add3A_363 = vector.broadcast %mul3A_336 : i32 to vector<16xi32>
    %add3A_364 = arith.addi %get3A_362, %add3A_363 : vector<16xi32>
    %swap3A_365 = arith.constant 64 : index
    %swap3A_366 = tpu.vector_load %arg7[%swap3A_365] {strides = array<i32>} : memref<128xi32, #tpu.memory_space<vmem>>, vector<16xi32>,
    tpu.vector_store %arg7[%swap3A_365], %add3A_364 {strides = array<i32>} : memref<128xi32, #tpu.memory_space<vmem>>, vector<16xi32>,
    %get3A_367 = arith.constant 720 : index
    %get3A_368 = tpu.vector_load %arg5[%get3A_367] {strides = array<i32>} : memref<13312xi32, #tpu.memory_space<vmem>>, vector<16xi32>,
    %add3A_369 = vector.broadcast %mul3A_336 : i32 to vector<16xi32>
    %add3A_370 = arith.addi %get3A_368, %add3A_369 : vector<16xi32>
    %swap3A_371 = arith.constant 80 : index
    %swap3A_372 = tpu.vector_load %arg7[%swap3A_371] {strides = array<i32>} : memref<128xi32, #tpu.memory_space<vmem>>, vector<16xi32>,
    tpu.vector_store %arg7[%swap3A_371], %add3A_370 {strides = array<i32>} : memref<128xi32, #tpu.memory_space<vmem>>, vector<16xi32>,
    %get3A_373 = arith.constant 736 : index
    %get3A_374 = tpu.vector_load %arg5[%get3A_373] {strides = array<i32>} : memref<13312xi32, #tpu.memory_space<vmem>>, vector<16xi32>,
    %add3A_375 = vector.broadcast %mul3A_336 : i32 to vector<16xi32>
    %add3A_376 = arith.addi %get3A_374, %add3A_375 : vector<16xi32>
    %swap3A_377 = arith.constant 96 : index
    %swap3A_378 = tpu.vector_load %arg7[%swap3A_377] {strides = array<i32>} : memref<128xi32, #tpu.memory_space<vmem>>, vector<16xi32>,
    tpu.vector_store %arg7[%swap3A_377], %add3A_376 {strides = array<i32>} : memref<128xi32, #tpu.memory_space<vmem>>, vector<16xi32>,
    %get3A_379 = arith.constant 752 : index
    %get3A_380 = tpu.vector_load %arg5[%get3A_379] {strides = array<i32>} : memref<13312xi32, #tpu.memory_space<vmem>>, vector<16xi32>,
    %add3A_381 = vector.broadcast %mul3A_336 : i32 to vector<16xi32>
    %add3A_382 = arith.addi %get3A_380, %add3A_381 : vector<16xi32>
    %swap3A_383 = arith.constant 112 : index
    %swap3A_384 = tpu.vector_load %arg7[%swap3A_383] {strides = array<i32>} : memref<128xi32, #tpu.memory_space<vmem>>, vector<16xi32>,
    tpu.vector_store %arg7[%swap3A_383], %add3A_382 {strides = array<i32>} : memref<128xi32, #tpu.memory_space<vmem>>, vector<16xi32>,
    %dma_start3A_385 = arith.constant 0 : i32
    %dma_start3A_386 = arith.constant 0 : i32
    %dma_start3A_387 = tpu.memref_slice %arg2[%dma_start3A_385, %dma_start3A_386] : memref<2600000x128xf32, #tpu.memory_space<hbm>> -> memref<2600000x128xf32, #tpu.memory_space<hbm>>
    tpu.enqueue_indirect_dma source(%dma_start3A_387 : memref<2600000x128xf32, #tpu.memory_space<hbm>>) target(%arg11 : memref<128x128xf32, #tpu.memory_space<vmem>>) offsets(%arg7 : memref<128xi32, #tpu.memory_space<vmem>>) semaphore(%arg14 : memref<!tpu.dma_semaphore, #tpu.memory_space<semaphore_mem>>)
    %scan3A = arith.constant 0 : i32
    %scan3A_388 = arith.constant 0 : i32
    %scan3A_389 = arith.constant 24 : i32
    %scan3A_390 = arith.addi %scan3A_388, %scan3A_389 : i32
    %scan3A_391 = arith.constant 1 : i32
    scf.for %scan3A_579 = %scan3A_388 to %scan3A_390 step %scan3A_391  : i32 {
      %mul3A_580 = arith.constant 4 : i32
      %mul3A_581 = arith.muli %mul3A_580, %scan3A_579 : i32
      %add3A_582 = arith.constant 4 : i32
      %add3A_583 = arith.addi %mul3A_581, %add3A_582 : i32
      %dma_wait3A_584 = arith.constant 0 : i32
      %dma_wait3A_585 = arith.constant 0 : i32
      %dma_wait3A_586 = tpu.memref_slice %arg2[%dma_wait3A_584, %dma_wait3A_585] : memref<2600000x128xf32, #tpu.memory_space<hbm>> -> memref<2600000x128xf32, #tpu.memory_space<hbm>>
      tpu.wait_indirect_dma semaphore(%arg14 : memref<!tpu.dma_semaphore, #tpu.memory_space<semaphore_mem>>) src(%dma_wait3A_586 : memref<2600000x128xf32, #tpu.memory_space<hbm>>) dst(%arg10 : memref<128x128xf32, #tpu.memory_space<vmem>>)
      %add3A_587 = arith.constant 0 : i32
      %add3A_588 = arith.addi %add3A_583, %add3A_587 : i32
      %mul3A_589 = arith.constant 128 : i32
      %mul3A_590 = arith.muli %add3A_588, %mul3A_589 : i32
      %add3A_591 = arith.addi %mul3A_2, %mul3A_590 : i32
      %dma_start3A_592 = arith.constant 0 : i32
      %dma_start3A_593 = tpu.memref_slice %arg4[%add3A_591, %dma_start3A_592] : memref<425984x128xf32, #tpu.memory_space<hbm>> -> memref<128x128xf32, #tpu.memory_space<hbm>>
      %dma_start3A_594 = arith.constant 0 : i32
      %dma_start3A_595 = tpu.memref_slice %arg4[%add3A_591, %dma_start3A_594] : memref<425984x128xf32, #tpu.memory_space<hbm>> -> memref<128x128xf32, #tpu.memory_space<hbm>>
      tpu.enqueue_dma source(%arg10 : memref<128x128xf32, #tpu.memory_space<vmem>>) target(%dma_start3A_595 : memref<128x128xf32, #tpu.memory_space<hbm>>) target_semaphore(%arg15 : memref<!tpu.dma_semaphore, #tpu.memory_space<semaphore_mem>>)
      %dma_wait3A_596 = arith.constant 0 : i32
      %dma_wait3A_597 = arith.constant 0 : i32
      %dma_wait3A_598 = tpu.memref_slice %arg4[%dma_wait3A_596, %dma_wait3A_597] : memref<425984x128xf32, #tpu.memory_space<hbm>> -> memref<128x128xf32, #tpu.memory_space<hbm>>
      %dma_wait3A_599 = arith.constant 0 : i32
      %dma_wait3A_600 = arith.constant 0 : i32
      %dma_wait3A_601 = tpu.memref_slice %arg4[%dma_wait3A_599, %dma_wait3A_600] : memref<425984x128xf32, #tpu.memory_space<hbm>> -> memref<128x128xf32, #tpu.memory_space<hbm>>
      tpu.wait_dma2 semaphore(%arg15 : memref<!tpu.dma_semaphore, #tpu.memory_space<semaphore_mem>>) src(%dma_wait3A_601 : memref<128x128xf32, #tpu.memory_space<hbm>>) dst(%arg12 : memref<128x128xf32, #tpu.memory_space<vmem>>)
      %add3A_602 = arith.constant 0 : i32
      %add3A_603 = arith.addi %add3A_583, %add3A_602 : i32
      %add3A_604 = arith.constant 2 : i32
      %add3A_605 = arith.addi %add3A_603, %add3A_604 : i32
      %mul3A_606 = arith.constant 128 : i32
      %mul3A_607 = arith.muli %add3A_605, %mul3A_606 : i32
      %add3A_608 = arith.addi %mul3A_2, %mul3A_607 : i32
      %shift_right_arithmetic3A_609 = arith.constant 14 : i32
      %shift_right_arithmetic3A_610 = arith.shrsi %add3A_608, %shift_right_arithmetic3A_609 : i32
      %mul3A_611 = arith.constant 100000 : i32
      %mul3A_612 = arith.muli %shift_right_arithmetic3A_610, %mul3A_611 : i32
      %mul3A_613 = arith.constant 128 : i32
      %mul3A_614 = arith.muli %add3A_605, %mul3A_613 : i32
      %add3A_615 = arith.constant 0 : i32
      %add3A_616 = arith.addi %mul3A_614, %add3A_615 : i32
      %get3A_617 = arith.index_cast %add3A_616 : i32 to index
      %get3A_618 = tpu.vector_load %arg5[%get3A_617] {strides = array<i32>} : memref<13312xi32, #tpu.memory_space<vmem>>, vector<16xi32>,
      %add3A_619 = vector.broadcast %mul3A_612 : i32 to vector<16xi32>
      %add3A_620 = arith.addi %get3A_618, %add3A_619 : vector<16xi32>
      %swap3A_621 = arith.constant 0 : index
      %swap3A_622 = tpu.vector_load %arg8[%swap3A_621] {strides = array<i32>} : memref<128xi32, #tpu.memory_space<vmem>>, vector<16xi32>,
      tpu.vector_store %arg8[%swap3A_621], %add3A_620 {strides = array<i32>} : memref<128xi32, #tpu.memory_space<vmem>>, vector<16xi32>,
      %mul3A_623 = arith.constant 128 : i32
      %mul3A_624 = arith.muli %add3A_605, %mul3A_623 : i32
      %add3A_625 = arith.constant 16 : i32
      %add3A_626 = arith.addi %mul3A_624, %add3A_625 : i32
      %get3A_627 = arith.index_cast %add3A_626 : i32 to index
      %get3A_628 = tpu.vector_load %arg5[%get3A_627] {strides = array<i32>} : memref<13312xi32, #tpu.memory_space<vmem>>, vector<16xi32>,
      %add3A_629 = vector.broadcast %mul3A_612 : i32 to vector<16xi32>
      %add3A_630 = arith.addi %get3A_628, %add3A_629 : vector<16xi32>
      %swap3A_631 = arith.constant 16 : index
      %swap3A_632 = tpu.vector_load %arg8[%swap3A_631] {strides = array<i32>} : memref<128xi32, #tpu.memory_space<vmem>>, vector<16xi32>,
      tpu.vector_store %arg8[%swap3A_631], %add3A_630 {strides = array<i32>} : memref<128xi32, #tpu.memory_space<vmem>>, vector<16xi32>,
      %mul3A_633 = arith.constant 128 : i32
      %mul3A_634 = arith.muli %add3A_605, %mul3A_633 : i32
      %add3A_635 = arith.constant 32 : i32
      %add3A_636 = arith.addi %mul3A_634, %add3A_635 : i32
      %get3A_637 = arith.index_cast %add3A_636 : i32 to index
      %get3A_638 = tpu.vector_load %arg5[%get3A_637] {strides = array<i32>} : memref<13312xi32, #tpu.memory_space<vmem>>, vector<16xi32>,
      %add3A_639 = vector.broadcast %mul3A_612 : i32 to vector<16xi32>
      %add3A_640 = arith.addi %get3A_638, %add3A_639 : vector<16xi32>
      %swap3A_641 = arith.constant 32 : index
      %swap3A_642 = tpu.vector_load %arg8[%swap3A_641] {strides = array<i32>} : memref<128xi32, #tpu.memory_space<vmem>>, vector<16xi32>,
      tpu.vector_store %arg8[%swap3A_641], %add3A_640 {strides = array<i32>} : memref<128xi32, #tpu.memory_space<vmem>>, vector<16xi32>,
      %mul3A_643 = arith.constant 128 : i32
      %mul3A_644 = arith.muli %add3A_605, %mul3A_643 : i32
      %add3A_645 = arith.constant 48 : i32
      %add3A_646 = arith.addi %mul3A_644, %add3A_645 : i32
      %get3A_647 = arith.index_cast %add3A_646 : i32 to index
      %get3A_648 = tpu.vector_load %arg5[%get3A_647] {strides = array<i32>} : memref<13312xi32, #tpu.memory_space<vmem>>, vector<16xi32>,
      %add3A_649 = vector.broadcast %mul3A_612 : i32 to vector<16xi32>
      %add3A_650 = arith.addi %get3A_648, %add3A_649 : vector<16xi32>
      %swap3A_651 = arith.constant 48 : index
      %swap3A_652 = tpu.vector_load %arg8[%swap3A_651] {strides = array<i32>} : memref<128xi32, #tpu.memory_space<vmem>>, vector<16xi32>,
      tpu.vector_store %arg8[%swap3A_651], %add3A_650 {strides = array<i32>} : memref<128xi32, #tpu.memory_space<vmem>>, vector<16xi32>,
      %mul3A_653 = arith.constant 128 : i32
      %mul3A_654 = arith.muli %add3A_605, %mul3A_653 : i32
      %add3A_655 = arith.constant 64 : i32
      %add3A_656 = arith.addi %mul3A_654, %add3A_655 : i32
      %get3A_657 = arith.index_cast %add3A_656 : i32 to index
      %get3A_658 = tpu.vector_load %arg5[%get3A_657] {strides = array<i32>} : memref<13312xi32, #tpu.memory_space<vmem>>, vector<16xi32>,
      %add3A_659 = vector.broadcast %mul3A_612 : i32 to vector<16xi32>
      %add3A_660 = arith.addi %get3A_658, %add3A_659 : vector<16xi32>
      %swap3A_661 = arith.constant 64 : index
      %swap3A_662 = tpu.vector_load %arg8[%swap3A_661] {strides = array<i32>} : memref<128xi32, #tpu.memory_space<vmem>>, vector<16xi32>,
      tpu.vector_store %arg8[%swap3A_661], %add3A_660 {strides = array<i32>} : memref<128xi32, #tpu.memory_space<vmem>>, vector<16xi32>,
      %mul3A_663 = arith.constant 128 : i32
      %mul3A_664 = arith.muli %add3A_605, %mul3A_663 : i32
      %add3A_665 = arith.constant 80 : i32
      %add3A_666 = arith.addi %mul3A_664, %add3A_665 : i32
      %get3A_667 = arith.index_cast %add3A_666 : i32 to index
      %get3A_668 = tpu.vector_load %arg5[%get3A_667] {strides = array<i32>} : memref<13312xi32, #tpu.memory_space<vmem>>, vector<16xi32>,
      %add3A_669 = vector.broadcast %mul3A_612 : i32 to vector<16xi32>
      %add3A_670 = arith.addi %get3A_668, %add3A_669 : vector<16xi32>
      %swap3A_671 = arith.constant 80 : index
      %swap3A_672 = tpu.vector_load %arg8[%swap3A_671] {strides = array<i32>} : memref<128xi32, #tpu.memory_space<vmem>>, vector<16xi32>,
      tpu.vector_store %arg8[%swap3A_671], %add3A_670 {strides = array<i32>} : memref<128xi32, #tpu.memory_space<vmem>>, vector<16xi32>,
      %mul3A_673 = arith.constant 128 : i32
      %mul3A_674 = arith.muli %add3A_605, %mul3A_673 : i32
      %add3A_675 = arith.constant 96 : i32
      %add3A_676 = arith.addi %mul3A_674, %add3A_675 : i32
      %get3A_677 = arith.index_cast %add3A_676 : i32 to index
      %get3A_678 = tpu.vector_load %arg5[%get3A_677] {strides = array<i32>} : memref<13312xi32, #tpu.memory_space<vmem>>, vector<16xi32>,
      %add3A_679 = vector.broadcast %mul3A_612 : i32 to vector<16xi32>
      %add3A_680 = arith.addi %get3A_678, %add3A_679 : vector<16xi32>
      %swap3A_681 = arith.constant 96 : index
      %swap3A_682 = tpu.vector_load %arg8[%swap3A_681] {strides = array<i32>} : memref<128xi32, #tpu.memory_space<vmem>>, vector<16xi32>,
      tpu.vector_store %arg8[%swap3A_681], %add3A_680 {strides = array<i32>} : memref<128xi32, #tpu.memory_space<vmem>>, vector<16xi32>,
      %mul3A_683 = arith.constant 128 : i32
      %mul3A_684 = arith.muli %add3A_605, %mul3A_683 : i32
      %add3A_685 = arith.constant 112 : i32
      %add3A_686 = arith.addi %mul3A_684, %add3A_685 : i32
      %get3A_687 = arith.index_cast %add3A_686 : i32 to index
      %get3A_688 = tpu.vector_load %arg5[%get3A_687] {strides = array<i32>} : memref<13312xi32, #tpu.memory_space<vmem>>, vector<16xi32>,
      %add3A_689 = vector.broadcast %mul3A_612 : i32 to vector<16xi32>
      %add3A_690 = arith.addi %get3A_688, %add3A_689 : vector<16xi32>
      %swap3A_691 = arith.constant 112 : index
      %swap3A_692 = tpu.vector_load %arg8[%swap3A_691] {strides = array<i32>} : memref<128xi32, #tpu.memory_space<vmem>>, vector<16xi32>,
      tpu.vector_store %arg8[%swap3A_691], %add3A_690 {strides = array<i32>} : memref<128xi32, #tpu.memory_space<vmem>>, vector<16xi32>,
      %dma_start3A_693 = arith.constant 0 : i32
      %dma_start3A_694 = arith.constant 0 : i32
      %dma_start3A_695 = tpu.memref_slice %arg2[%dma_start3A_693, %dma_start3A_694] : memref<2600000x128xf32, #tpu.memory_space<hbm>> -> memref<2600000x128xf32, #tpu.memory_space<hbm>>
      tpu.enqueue_indirect_dma source(%dma_start3A_695 : memref<2600000x128xf32, #tpu.memory_space<hbm>>) target(%arg12 : memref<128x128xf32, #tpu.memory_space<vmem>>) offsets(%arg8 : memref<128xi32, #tpu.memory_space<vmem>>) semaphore(%arg14 : memref<!tpu.dma_semaphore, #tpu.memory_space<semaphore_mem>>)
      %dma_wait3A_696 = arith.constant 0 : i32
      %dma_wait3A_697 = arith.constant 0 : i32
      %dma_wait3A_698 = tpu.memref_slice %arg2[%dma_wait3A_696, %dma_wait3A_697] : memref<2600000x128xf32, #tpu.memory_space<hbm>> -> memref<2600000x128xf32, #tpu.memory_space<hbm>>
      tpu.wait_indirect_dma semaphore(%arg14 : memref<!tpu.dma_semaphore, #tpu.memory_space<semaphore_mem>>) src(%dma_wait3A_698 : memref<2600000x128xf32, #tpu.memory_space<hbm>>) dst(%arg11 : memref<128x128xf32, #tpu.memory_space<vmem>>)
      %add3A_699 = arith.constant 1 : i32
      %add3A_700 = arith.addi %add3A_583, %add3A_699 : i32
      %mul3A_701 = arith.constant 128 : i32
      %mul3A_702 = arith.muli %add3A_700, %mul3A_701 : i32
      %add3A_703 = arith.addi %mul3A_2, %mul3A_702 : i32
      %dma_start3A_704 = arith.constant 0 : i32
      %dma_start3A_705 = tpu.memref_slice %arg4[%add3A_703, %dma_start3A_704] : memref<425984x128xf32, #tpu.memory_space<hbm>> -> memref<128x128xf32, #tpu.memory_space<hbm>>
      %dma_start3A_706 = arith.constant 0 : i32
      %dma_start3A_707 = tpu.memref_slice %arg4[%add3A_703, %dma_start3A_706] : memref<425984x128xf32, #tpu.memory_space<hbm>> -> memref<128x128xf32, #tpu.memory_space<hbm>>
      tpu.enqueue_dma source(%arg11 : memref<128x128xf32, #tpu.memory_space<vmem>>) target(%dma_start3A_707 : memref<128x128xf32, #tpu.memory_space<hbm>>) target_semaphore(%arg15 : memref<!tpu.dma_semaphore, #tpu.memory_space<semaphore_mem>>)
      %dma_wait3A_708 = arith.constant 0 : i32
      %dma_wait3A_709 = arith.constant 0 : i32
      %dma_wait3A_710 = tpu.memref_slice %arg4[%dma_wait3A_708, %dma_wait3A_709] : memref<425984x128xf32, #tpu.memory_space<hbm>> -> memref<128x128xf32, #tpu.memory_space<hbm>>
      %dma_wait3A_711 = arith.constant 0 : i32
      %dma_wait3A_712 = arith.constant 0 : i32
      %dma_wait3A_713 = tpu.memref_slice %arg4[%dma_wait3A_711, %dma_wait3A_712] : memref<425984x128xf32, #tpu.memory_space<hbm>> -> memref<128x128xf32, #tpu.memory_space<hbm>>
      tpu.wait_dma2 semaphore(%arg15 : memref<!tpu.dma_semaphore, #tpu.memory_space<semaphore_mem>>) src(%dma_wait3A_713 : memref<128x128xf32, #tpu.memory_space<hbm>>) dst(%arg13 : memref<128x128xf32, #tpu.memory_space<vmem>>)
      %add3A_714 = arith.constant 1 : i32
      %add3A_715 = arith.addi %add3A_583, %add3A_714 : i32
      %add3A_716 = arith.constant 2 : i32
      %add3A_717 = arith.addi %add3A_715, %add3A_716 : i32
      %mul3A_718 = arith.constant 128 : i32
      %mul3A_719 = arith.muli %add3A_717, %mul3A_718 : i32
      %add3A_720 = arith.addi %mul3A_2, %mul3A_719 : i32
      %shift_right_arithmetic3A_721 = arith.constant 14 : i32
      %shift_right_arithmetic3A_722 = arith.shrsi %add3A_720, %shift_right_arithmetic3A_721 : i32
      %mul3A_723 = arith.constant 100000 : i32
      %mul3A_724 = arith.muli %shift_right_arithmetic3A_722, %mul3A_723 : i32
      %mul3A_725 = arith.constant 128 : i32
      %mul3A_726 = arith.muli %add3A_717, %mul3A_725 : i32
      %add3A_727 = arith.constant 0 : i32
      %add3A_728 = arith.addi %mul3A_726, %add3A_727 : i32
      %get3A_729 = arith.index_cast %add3A_728 : i32 to index
      %get3A_730 = tpu.vector_load %arg5[%get3A_729] {strides = array<i32>} : memref<13312xi32, #tpu.memory_space<vmem>>, vector<16xi32>,
      %add3A_731 = vector.broadcast %mul3A_724 : i32 to vector<16xi32>
      %add3A_732 = arith.addi %get3A_730, %add3A_731 : vector<16xi32>
      %swap3A_733 = arith.constant 0 : index
      %swap3A_734 = tpu.vector_load %arg9[%swap3A_733] {strides = array<i32>} : memref<128xi32, #tpu.memory_space<vmem>>, vector<16xi32>,
      tpu.vector_store %arg9[%swap3A_733], %add3A_732 {strides = array<i32>} : memref<128xi32, #tpu.memory_space<vmem>>, vector<16xi32>,
      %mul3A_735 = arith.constant 128 : i32
      %mul3A_736 = arith.muli %add3A_717, %mul3A_735 : i32
      %add3A_737 = arith.constant 16 : i32
      %add3A_738 = arith.addi %mul3A_736, %add3A_737 : i32
      %get3A_739 = arith.index_cast %add3A_738 : i32 to index
      %get3A_740 = tpu.vector_load %arg5[%get3A_739] {strides = array<i32>} : memref<13312xi32, #tpu.memory_space<vmem>>, vector<16xi32>,
      %add3A_741 = vector.broadcast %mul3A_724 : i32 to vector<16xi32>
      %add3A_742 = arith.addi %get3A_740, %add3A_741 : vector<16xi32>
      %swap3A_743 = arith.constant 16 : index
      %swap3A_744 = tpu.vector_load %arg9[%swap3A_743] {strides = array<i32>} : memref<128xi32, #tpu.memory_space<vmem>>, vector<16xi32>,
      tpu.vector_store %arg9[%swap3A_743], %add3A_742 {strides = array<i32>} : memref<128xi32, #tpu.memory_space<vmem>>, vector<16xi32>,
      %mul3A_745 = arith.constant 128 : i32
      %mul3A_746 = arith.muli %add3A_717, %mul3A_745 : i32
      %add3A_747 = arith.constant 32 : i32
      %add3A_748 = arith.addi %mul3A_746, %add3A_747 : i32
      %get3A_749 = arith.index_cast %add3A_748 : i32 to index
      %get3A_750 = tpu.vector_load %arg5[%get3A_749] {strides = array<i32>} : memref<13312xi32, #tpu.memory_space<vmem>>, vector<16xi32>,
      %add3A_751 = vector.broadcast %mul3A_724 : i32 to vector<16xi32>
      %add3A_752 = arith.addi %get3A_750, %add3A_751 : vector<16xi32>
      %swap3A_753 = arith.constant 32 : index
      %swap3A_754 = tpu.vector_load %arg9[%swap3A_753] {strides = array<i32>} : memref<128xi32, #tpu.memory_space<vmem>>, vector<16xi32>,
      tpu.vector_store %arg9[%swap3A_753], %add3A_752 {strides = array<i32>} : memref<128xi32, #tpu.memory_space<vmem>>, vector<16xi32>,
      %mul3A_755 = arith.constant 128 : i32
      %mul3A_756 = arith.muli %add3A_717, %mul3A_755 : i32
      %add3A_757 = arith.constant 48 : i32
      %add3A_758 = arith.addi %mul3A_756, %add3A_757 : i32
      %get3A_759 = arith.index_cast %add3A_758 : i32 to index
      %get3A_760 = tpu.vector_load %arg5[%get3A_759] {strides = array<i32>} : memref<13312xi32, #tpu.memory_space<vmem>>, vector<16xi32>,
      %add3A_761 = vector.broadcast %mul3A_724 : i32 to vector<16xi32>
      %add3A_762 = arith.addi %get3A_760, %add3A_761 : vector<16xi32>
      %swap3A_763 = arith.constant 48 : index
      %swap3A_764 = tpu.vector_load %arg9[%swap3A_763] {strides = array<i32>} : memref<128xi32, #tpu.memory_space<vmem>>, vector<16xi32>,
      tpu.vector_store %arg9[%swap3A_763], %add3A_762 {strides = array<i32>} : memref<128xi32, #tpu.memory_space<vmem>>, vector<16xi32>,
      %mul3A_765 = arith.constant 128 : i32
      %mul3A_766 = arith.muli %add3A_717, %mul3A_765 : i32
      %add3A_767 = arith.constant 64 : i32
      %add3A_768 = arith.addi %mul3A_766, %add3A_767 : i32
      %get3A_769 = arith.index_cast %add3A_768 : i32 to index
      %get3A_770 = tpu.vector_load %arg5[%get3A_769] {strides = array<i32>} : memref<13312xi32, #tpu.memory_space<vmem>>, vector<16xi32>,
      %add3A_771 = vector.broadcast %mul3A_724 : i32 to vector<16xi32>
      %add3A_772 = arith.addi %get3A_770, %add3A_771 : vector<16xi32>
      %swap3A_773 = arith.constant 64 : index
      %swap3A_774 = tpu.vector_load %arg9[%swap3A_773] {strides = array<i32>} : memref<128xi32, #tpu.memory_space<vmem>>, vector<16xi32>,
      tpu.vector_store %arg9[%swap3A_773], %add3A_772 {strides = array<i32>} : memref<128xi32, #tpu.memory_space<vmem>>, vector<16xi32>,
      %mul3A_775 = arith.constant 128 : i32
      %mul3A_776 = arith.muli %add3A_717, %mul3A_775 : i32
      %add3A_777 = arith.constant 80 : i32
      %add3A_778 = arith.addi %mul3A_776, %add3A_777 : i32
      %get3A_779 = arith.index_cast %add3A_778 : i32 to index
      %get3A_780 = tpu.vector_load %arg5[%get3A_779] {strides = array<i32>} : memref<13312xi32, #tpu.memory_space<vmem>>, vector<16xi32>,
      %add3A_781 = vector.broadcast %mul3A_724 : i32 to vector<16xi32>
      %add3A_782 = arith.addi %get3A_780, %add3A_781 : vector<16xi32>
      %swap3A_783 = arith.constant 80 : index
      %swap3A_784 = tpu.vector_load %arg9[%swap3A_783] {strides = array<i32>} : memref<128xi32, #tpu.memory_space<vmem>>, vector<16xi32>,
      tpu.vector_store %arg9[%swap3A_783], %add3A_782 {strides = array<i32>} : memref<128xi32, #tpu.memory_space<vmem>>, vector<16xi32>,
      %mul3A_785 = arith.constant 128 : i32
      %mul3A_786 = arith.muli %add3A_717, %mul3A_785 : i32
      %add3A_787 = arith.constant 96 : i32
      %add3A_788 = arith.addi %mul3A_786, %add3A_787 : i32
      %get3A_789 = arith.index_cast %add3A_788 : i32 to index
      %get3A_790 = tpu.vector_load %arg5[%get3A_789] {strides = array<i32>} : memref<13312xi32, #tpu.memory_space<vmem>>, vector<16xi32>,
      %add3A_791 = vector.broadcast %mul3A_724 : i32 to vector<16xi32>
      %add3A_792 = arith.addi %get3A_790, %add3A_791 : vector<16xi32>
      %swap3A_793 = arith.constant 96 : index
      %swap3A_794 = tpu.vector_load %arg9[%swap3A_793] {strides = array<i32>} : memref<128xi32, #tpu.memory_space<vmem>>, vector<16xi32>,
      tpu.vector_store %arg9[%swap3A_793], %add3A_792 {strides = array<i32>} : memref<128xi32, #tpu.memory_space<vmem>>, vector<16xi32>,
      %mul3A_795 = arith.constant 128 : i32
      %mul3A_796 = arith.muli %add3A_717, %mul3A_795 : i32
      %add3A_797 = arith.constant 112 : i32
      %add3A_798 = arith.addi %mul3A_796, %add3A_797 : i32
      %get3A_799 = arith.index_cast %add3A_798 : i32 to index
      %get3A_800 = tpu.vector_load %arg5[%get3A_799] {strides = array<i32>} : memref<13312xi32, #tpu.memory_space<vmem>>, vector<16xi32>,
      %add3A_801 = vector.broadcast %mul3A_724 : i32 to vector<16xi32>
      %add3A_802 = arith.addi %get3A_800, %add3A_801 : vector<16xi32>
      %swap3A_803 = arith.constant 112 : index
      %swap3A_804 = tpu.vector_load %arg9[%swap3A_803] {strides = array<i32>} : memref<128xi32, #tpu.memory_space<vmem>>, vector<16xi32>,
      tpu.vector_store %arg9[%swap3A_803], %add3A_802 {strides = array<i32>} : memref<128xi32, #tpu.memory_space<vmem>>, vector<16xi32>,
      %dma_start3A_805 = arith.constant 0 : i32
      %dma_start3A_806 = arith.constant 0 : i32
      %dma_start3A_807 = tpu.memref_slice %arg2[%dma_start3A_805, %dma_start3A_806] : memref<2600000x128xf32, #tpu.memory_space<hbm>> -> memref<2600000x128xf32, #tpu.memory_space<hbm>>
      tpu.enqueue_indirect_dma source(%dma_start3A_807 : memref<2600000x128xf32, #tpu.memory_space<hbm>>) target(%arg13 : memref<128x128xf32, #tpu.memory_space<vmem>>) offsets(%arg9 : memref<128xi32, #tpu.memory_space<vmem>>) semaphore(%arg14 : memref<!tpu.dma_semaphore, #tpu.memory_space<semaphore_mem>>)
      %dma_wait3A_808 = arith.constant 0 : i32
      %dma_wait3A_809 = arith.constant 0 : i32
      %dma_wait3A_810 = tpu.memref_slice %arg2[%dma_wait3A_808, %dma_wait3A_809] : memref<2600000x128xf32, #tpu.memory_space<hbm>> -> memref<2600000x128xf32, #tpu.memory_space<hbm>>
      tpu.wait_indirect_dma semaphore(%arg14 : memref<!tpu.dma_semaphore, #tpu.memory_space<semaphore_mem>>) src(%dma_wait3A_810 : memref<2600000x128xf32, #tpu.memory_space<hbm>>) dst(%arg12 : memref<128x128xf32, #tpu.memory_space<vmem>>)
      %add3A_811 = arith.constant 2 : i32
      %add3A_812 = arith.addi %add3A_583, %add3A_811 : i32
      %mul3A_813 = arith.constant 128 : i32
      %mul3A_814 = arith.muli %add3A_812, %mul3A_813 : i32
      %add3A_815 = arith.addi %mul3A_2, %mul3A_814 : i32
      %dma_start3A_816 = arith.constant 0 : i32
      %dma_start3A_817 = tpu.memref_slice %arg4[%add3A_815, %dma_start3A_816] : memref<425984x128xf32, #tpu.memory_space<hbm>> -> memref<128x128xf32, #tpu.memory_space<hbm>>
      %dma_start3A_818 = arith.constant 0 : i32
      %dma_start3A_819 = tpu.memref_slice %arg4[%add3A_815, %dma_start3A_818] : memref<425984x128xf32, #tpu.memory_space<hbm>> -> memref<128x128xf32, #tpu.memory_space<hbm>>
      tpu.enqueue_dma source(%arg12 : memref<128x128xf32, #tpu.memory_space<vmem>>) target(%dma_start3A_819 : memref<128x128xf32, #tpu.memory_space<hbm>>) target_semaphore(%arg15 : memref<!tpu.dma_semaphore, #tpu.memory_space<semaphore_mem>>)
      %dma_wait3A_820 = arith.constant 0 : i32
      %dma_wait3A_821 = arith.constant 0 : i32
      %dma_wait3A_822 = tpu.memref_slice %arg4[%dma_wait3A_820, %dma_wait3A_821] : memref<425984x128xf32, #tpu.memory_space<hbm>> -> memref<128x128xf32, #tpu.memory_space<hbm>>
      %dma_wait3A_823 = arith.constant 0 : i32
      %dma_wait3A_824 = arith.constant 0 : i32
      %dma_wait3A_825 = tpu.memref_slice %arg4[%dma_wait3A_823, %dma_wait3A_824] : memref<425984x128xf32, #tpu.memory_space<hbm>> -> memref<128x128xf32, #tpu.memory_space<hbm>>
      tpu.wait_dma2 semaphore(%arg15 : memref<!tpu.dma_semaphore, #tpu.memory_space<semaphore_mem>>) src(%dma_wait3A_825 : memref<128x128xf32, #tpu.memory_space<hbm>>) dst(%arg10 : memref<128x128xf32, #tpu.memory_space<vmem>>)
      %add3A_826 = arith.constant 2 : i32
      %add3A_827 = arith.addi %add3A_583, %add3A_826 : i32
      %add3A_828 = arith.constant 2 : i32
      %add3A_829 = arith.addi %add3A_827, %add3A_828 : i32
      %mul3A_830 = arith.constant 128 : i32
      %mul3A_831 = arith.muli %add3A_829, %mul3A_830 : i32
      %add3A_832 = arith.addi %mul3A_2, %mul3A_831 : i32
      %shift_right_arithmetic3A_833 = arith.constant 14 : i32
      %shift_right_arithmetic3A_834 = arith.shrsi %add3A_832, %shift_right_arithmetic3A_833 : i32
      %mul3A_835 = arith.constant 100000 : i32
      %mul3A_836 = arith.muli %shift_right_arithmetic3A_834, %mul3A_835 : i32
      %mul3A_837 = arith.constant 128 : i32
      %mul3A_838 = arith.muli %add3A_829, %mul3A_837 : i32
      %add3A_839 = arith.constant 0 : i32
      %add3A_840 = arith.addi %mul3A_838, %add3A_839 : i32
      %get3A_841 = arith.index_cast %add3A_840 : i32 to index
      %get3A_842 = tpu.vector_load %arg5[%get3A_841] {strides = array<i32>} : memref<13312xi32, #tpu.memory_space<vmem>>, vector<16xi32>,
      %add3A_843 = vector.broadcast %mul3A_836 : i32 to vector<16xi32>
      %add3A_844 = arith.addi %get3A_842, %add3A_843 : vector<16xi32>
      %swap3A_845 = arith.constant 0 : index
      %swap3A_846 = tpu.vector_load %arg6[%swap3A_845] {strides = array<i32>} : memref<128xi32, #tpu.memory_space<vmem>>, vector<16xi32>,
      tpu.vector_store %arg6[%swap3A_845], %add3A_844 {strides = array<i32>} : memref<128xi32, #tpu.memory_space<vmem>>, vector<16xi32>,
      %mul3A_847 = arith.constant 128 : i32
      %mul3A_848 = arith.muli %add3A_829, %mul3A_847 : i32
      %add3A_849 = arith.constant 16 : i32
      %add3A_850 = arith.addi %mul3A_848, %add3A_849 : i32
      %get3A_851 = arith.index_cast %add3A_850 : i32 to index
      %get3A_852 = tpu.vector_load %arg5[%get3A_851] {strides = array<i32>} : memref<13312xi32, #tpu.memory_space<vmem>>, vector<16xi32>,
      %add3A_853 = vector.broadcast %mul3A_836 : i32 to vector<16xi32>
      %add3A_854 = arith.addi %get3A_852, %add3A_853 : vector<16xi32>
      %swap3A_855 = arith.constant 16 : index
      %swap3A_856 = tpu.vector_load %arg6[%swap3A_855] {strides = array<i32>} : memref<128xi32, #tpu.memory_space<vmem>>, vector<16xi32>,
      tpu.vector_store %arg6[%swap3A_855], %add3A_854 {strides = array<i32>} : memref<128xi32, #tpu.memory_space<vmem>>, vector<16xi32>,
      %mul3A_857 = arith.constant 128 : i32
      %mul3A_858 = arith.muli %add3A_829, %mul3A_857 : i32
      %add3A_859 = arith.constant 32 : i32
      %add3A_860 = arith.addi %mul3A_858, %add3A_859 : i32
      %get3A_861 = arith.index_cast %add3A_860 : i32 to index
      %get3A_862 = tpu.vector_load %arg5[%get3A_861] {strides = array<i32>} : memref<13312xi32, #tpu.memory_space<vmem>>, vector<16xi32>,
      %add3A_863 = vector.broadcast %mul3A_836 : i32 to vector<16xi32>
      %add3A_864 = arith.addi %get3A_862, %add3A_863 : vector<16xi32>
      %swap3A_865 = arith.constant 32 : index
      %swap3A_866 = tpu.vector_load %arg6[%swap3A_865] {strides = array<i32>} : memref<128xi32, #tpu.memory_space<vmem>>, vector<16xi32>,
      tpu.vector_store %arg6[%swap3A_865], %add3A_864 {strides = array<i32>} : memref<128xi32, #tpu.memory_space<vmem>>, vector<16xi32>,
      %mul3A_867 = arith.constant 128 : i32
      %mul3A_868 = arith.muli %add3A_829, %mul3A_867 : i32
      %add3A_869 = arith.constant 48 : i32
      %add3A_870 = arith.addi %mul3A_868, %add3A_869 : i32
      %get3A_871 = arith.index_cast %add3A_870 : i32 to index
      %get3A_872 = tpu.vector_load %arg5[%get3A_871] {strides = array<i32>} : memref<13312xi32, #tpu.memory_space<vmem>>, vector<16xi32>,
      %add3A_873 = vector.broadcast %mul3A_836 : i32 to vector<16xi32>
      %add3A_874 = arith.addi %get3A_872, %add3A_873 : vector<16xi32>
      %swap3A_875 = arith.constant 48 : index
      %swap3A_876 = tpu.vector_load %arg6[%swap3A_875] {strides = array<i32>} : memref<128xi32, #tpu.memory_space<vmem>>, vector<16xi32>,
      tpu.vector_store %arg6[%swap3A_875], %add3A_874 {strides = array<i32>} : memref<128xi32, #tpu.memory_space<vmem>>, vector<16xi32>,
      %mul3A_877 = arith.constant 128 : i32
      %mul3A_878 = arith.muli %add3A_829, %mul3A_877 : i32
      %add3A_879 = arith.constant 64 : i32
      %add3A_880 = arith.addi %mul3A_878, %add3A_879 : i32
      %get3A_881 = arith.index_cast %add3A_880 : i32 to index
      %get3A_882 = tpu.vector_load %arg5[%get3A_881] {strides = array<i32>} : memref<13312xi32, #tpu.memory_space<vmem>>, vector<16xi32>,
      %add3A_883 = vector.broadcast %mul3A_836 : i32 to vector<16xi32>
      %add3A_884 = arith.addi %get3A_882, %add3A_883 : vector<16xi32>
      %swap3A_885 = arith.constant 64 : index
      %swap3A_886 = tpu.vector_load %arg6[%swap3A_885] {strides = array<i32>} : memref<128xi32, #tpu.memory_space<vmem>>, vector<16xi32>,
      tpu.vector_store %arg6[%swap3A_885], %add3A_884 {strides = array<i32>} : memref<128xi32, #tpu.memory_space<vmem>>, vector<16xi32>,
      %mul3A_887 = arith.constant 128 : i32
      %mul3A_888 = arith.muli %add3A_829, %mul3A_887 : i32
      %add3A_889 = arith.constant 80 : i32
      %add3A_890 = arith.addi %mul3A_888, %add3A_889 : i32
      %get3A_891 = arith.index_cast %add3A_890 : i32 to index
      %get3A_892 = tpu.vector_load %arg5[%get3A_891] {strides = array<i32>} : memref<13312xi32, #tpu.memory_space<vmem>>, vector<16xi32>,
      %add3A_893 = vector.broadcast %mul3A_836 : i32 to vector<16xi32>
      %add3A_894 = arith.addi %get3A_892, %add3A_893 : vector<16xi32>
      %swap3A_895 = arith.constant 80 : index
      %swap3A_896 = tpu.vector_load %arg6[%swap3A_895] {strides = array<i32>} : memref<128xi32, #tpu.memory_space<vmem>>, vector<16xi32>,
      tpu.vector_store %arg6[%swap3A_895], %add3A_894 {strides = array<i32>} : memref<128xi32, #tpu.memory_space<vmem>>, vector<16xi32>,
      %mul3A_897 = arith.constant 128 : i32
      %mul3A_898 = arith.muli %add3A_829, %mul3A_897 : i32
      %add3A_899 = arith.constant 96 : i32
      %add3A_900 = arith.addi %mul3A_898, %add3A_899 : i32
      %get3A_901 = arith.index_cast %add3A_900 : i32 to index
      %get3A_902 = tpu.vector_load %arg5[%get3A_901] {strides = array<i32>} : memref<13312xi32, #tpu.memory_space<vmem>>, vector<16xi32>,
      %add3A_903 = vector.broadcast %mul3A_836 : i32 to vector<16xi32>
      %add3A_904 = arith.addi %get3A_902, %add3A_903 : vector<16xi32>
      %swap3A_905 = arith.constant 96 : index
      %swap3A_906 = tpu.vector_load %arg6[%swap3A_905] {strides = array<i32>} : memref<128xi32, #tpu.memory_space<vmem>>, vector<16xi32>,
      tpu.vector_store %arg6[%swap3A_905], %add3A_904 {strides = array<i32>} : memref<128xi32, #tpu.memory_space<vmem>>, vector<16xi32>,
      %mul3A_907 = arith.constant 128 : i32
      %mul3A_908 = arith.muli %add3A_829, %mul3A_907 : i32
      %add3A_909 = arith.constant 112 : i32
      %add3A_910 = arith.addi %mul3A_908, %add3A_909 : i32
      %get3A_911 = arith.index_cast %add3A_910 : i32 to index
      %get3A_912 = tpu.vector_load %arg5[%get3A_911] {strides = array<i32>} : memref<13312xi32, #tpu.memory_space<vmem>>, vector<16xi32>,
      %add3A_913 = vector.broadcast %mul3A_836 : i32 to vector<16xi32>
      %add3A_914 = arith.addi %get3A_912, %add3A_913 : vector<16xi32>
      %swap3A_915 = arith.constant 112 : index
      %swap3A_916 = tpu.vector_load %arg6[%swap3A_915] {strides = array<i32>} : memref<128xi32, #tpu.memory_space<vmem>>, vector<16xi32>,
      tpu.vector_store %arg6[%swap3A_915], %add3A_914 {strides = array<i32>} : memref<128xi32, #tpu.memory_space<vmem>>, vector<16xi32>,
      %dma_start3A_917 = arith.constant 0 : i32
      %dma_start3A_918 = arith.constant 0 : i32
      %dma_start3A_919 = tpu.memref_slice %arg2[%dma_start3A_917, %dma_start3A_918] : memref<2600000x128xf32, #tpu.memory_space<hbm>> -> memref<2600000x128xf32, #tpu.memory_space<hbm>>
      tpu.enqueue_indirect_dma source(%dma_start3A_919 : memref<2600000x128xf32, #tpu.memory_space<hbm>>) target(%arg10 : memref<128x128xf32, #tpu.memory_space<vmem>>) offsets(%arg6 : memref<128xi32, #tpu.memory_space<vmem>>) semaphore(%arg14 : memref<!tpu.dma_semaphore, #tpu.memory_space<semaphore_mem>>)
      %dma_wait3A_920 = arith.constant 0 : i32
      %dma_wait3A_921 = arith.constant 0 : i32
      %dma_wait3A_922 = tpu.memref_slice %arg2[%dma_wait3A_920, %dma_wait3A_921] : memref<2600000x128xf32, #tpu.memory_space<hbm>> -> memref<2600000x128xf32, #tpu.memory_space<hbm>>
      tpu.wait_indirect_dma semaphore(%arg14 : memref<!tpu.dma_semaphore, #tpu.memory_space<semaphore_mem>>) src(%dma_wait3A_922 : memref<2600000x128xf32, #tpu.memory_space<hbm>>) dst(%arg13 : memref<128x128xf32, #tpu.memory_space<vmem>>)
      %add3A_923 = arith.constant 3 : i32
      %add3A_924 = arith.addi %add3A_583, %add3A_923 : i32
      %mul3A_925 = arith.constant 128 : i32
      %mul3A_926 = arith.muli %add3A_924, %mul3A_925 : i32
      %add3A_927 = arith.addi %mul3A_2, %mul3A_926 : i32
      %dma_start3A_928 = arith.constant 0 : i32
      %dma_start3A_929 = tpu.memref_slice %arg4[%add3A_927, %dma_start3A_928] : memref<425984x128xf32, #tpu.memory_space<hbm>> -> memref<128x128xf32, #tpu.memory_space<hbm>>
      %dma_start3A_930 = arith.constant 0 : i32
      %dma_start3A_931 = tpu.memref_slice %arg4[%add3A_927, %dma_start3A_930] : memref<425984x128xf32, #tpu.memory_space<hbm>> -> memref<128x128xf32, #tpu.memory_space<hbm>>
      tpu.enqueue_dma source(%arg13 : memref<128x128xf32, #tpu.memory_space<vmem>>) target(%dma_start3A_931 : memref<128x128xf32, #tpu.memory_space<hbm>>) target_semaphore(%arg15 : memref<!tpu.dma_semaphore, #tpu.memory_space<semaphore_mem>>)
      %dma_wait3A_932 = arith.constant 0 : i32
      %dma_wait3A_933 = arith.constant 0 : i32
      %dma_wait3A_934 = tpu.memref_slice %arg4[%dma_wait3A_932, %dma_wait3A_933] : memref<425984x128xf32, #tpu.memory_space<hbm>> -> memref<128x128xf32, #tpu.memory_space<hbm>>
      %dma_wait3A_935 = arith.constant 0 : i32
      %dma_wait3A_936 = arith.constant 0 : i32
      %dma_wait3A_937 = tpu.memref_slice %arg4[%dma_wait3A_935, %dma_wait3A_936] : memref<425984x128xf32, #tpu.memory_space<hbm>> -> memref<128x128xf32, #tpu.memory_space<hbm>>
      tpu.wait_dma2 semaphore(%arg15 : memref<!tpu.dma_semaphore, #tpu.memory_space<semaphore_mem>>) src(%dma_wait3A_937 : memref<128x128xf32, #tpu.memory_space<hbm>>) dst(%arg11 : memref<128x128xf32, #tpu.memory_space<vmem>>)
      %add3A_938 = arith.constant 3 : i32
      %add3A_939 = arith.addi %add3A_583, %add3A_938 : i32
      %add3A_940 = arith.constant 2 : i32
      %add3A_941 = arith.addi %add3A_939, %add3A_940 : i32
      %mul3A_942 = arith.constant 128 : i32
      %mul3A_943 = arith.muli %add3A_941, %mul3A_942 : i32
      %add3A_944 = arith.addi %mul3A_2, %mul3A_943 : i32
      %shift_right_arithmetic3A_945 = arith.constant 14 : i32
      %shift_right_arithmetic3A_946 = arith.shrsi %add3A_944, %shift_right_arithmetic3A_945 : i32
      %mul3A_947 = arith.constant 100000 : i32
      %mul3A_948 = arith.muli %shift_right_arithmetic3A_946, %mul3A_947 : i32
      %mul3A_949 = arith.constant 128 : i32
      %mul3A_950 = arith.muli %add3A_941, %mul3A_949 : i32
      %add3A_951 = arith.constant 0 : i32
      %add3A_952 = arith.addi %mul3A_950, %add3A_951 : i32
      %get3A_953 = arith.index_cast %add3A_952 : i32 to index
      %get3A_954 = tpu.vector_load %arg5[%get3A_953] {strides = array<i32>} : memref<13312xi32, #tpu.memory_space<vmem>>, vector<16xi32>,
      %add3A_955 = vector.broadcast %mul3A_948 : i32 to vector<16xi32>
      %add3A_956 = arith.addi %get3A_954, %add3A_955 : vector<16xi32>
      %swap3A_957 = arith.constant 0 : index
      %swap3A_958 = tpu.vector_load %arg7[%swap3A_957] {strides = array<i32>} : memref<128xi32, #tpu.memory_space<vmem>>, vector<16xi32>,
      tpu.vector_store %arg7[%swap3A_957], %add3A_956 {strides = array<i32>} : memref<128xi32, #tpu.memory_space<vmem>>, vector<16xi32>,
      %mul3A_959 = arith.constant 128 : i32
      %mul3A_960 = arith.muli %add3A_941, %mul3A_959 : i32
      %add3A_961 = arith.constant 16 : i32
      %add3A_962 = arith.addi %mul3A_960, %add3A_961 : i32
      %get3A_963 = arith.index_cast %add3A_962 : i32 to index
      %get3A_964 = tpu.vector_load %arg5[%get3A_963] {strides = array<i32>} : memref<13312xi32, #tpu.memory_space<vmem>>, vector<16xi32>,
      %add3A_965 = vector.broadcast %mul3A_948 : i32 to vector<16xi32>
      %add3A_966 = arith.addi %get3A_964, %add3A_965 : vector<16xi32>
      %swap3A_967 = arith.constant 16 : index
      %swap3A_968 = tpu.vector_load %arg7[%swap3A_967] {strides = array<i32>} : memref<128xi32, #tpu.memory_space<vmem>>, vector<16xi32>,
      tpu.vector_store %arg7[%swap3A_967], %add3A_966 {strides = array<i32>} : memref<128xi32, #tpu.memory_space<vmem>>, vector<16xi32>,
      %mul3A_969 = arith.constant 128 : i32
      %mul3A_970 = arith.muli %add3A_941, %mul3A_969 : i32
      %add3A_971 = arith.constant 32 : i32
      %add3A_972 = arith.addi %mul3A_970, %add3A_971 : i32
      %get3A_973 = arith.index_cast %add3A_972 : i32 to index
      %get3A_974 = tpu.vector_load %arg5[%get3A_973] {strides = array<i32>} : memref<13312xi32, #tpu.memory_space<vmem>>, vector<16xi32>,
      %add3A_975 = vector.broadcast %mul3A_948 : i32 to vector<16xi32>
      %add3A_976 = arith.addi %get3A_974, %add3A_975 : vector<16xi32>
      %swap3A_977 = arith.constant 32 : index
      %swap3A_978 = tpu.vector_load %arg7[%swap3A_977] {strides = array<i32>} : memref<128xi32, #tpu.memory_space<vmem>>, vector<16xi32>,
      tpu.vector_store %arg7[%swap3A_977], %add3A_976 {strides = array<i32>} : memref<128xi32, #tpu.memory_space<vmem>>, vector<16xi32>,
      %mul3A_979 = arith.constant 128 : i32
      %mul3A_980 = arith.muli %add3A_941, %mul3A_979 : i32
      %add3A_981 = arith.constant 48 : i32
      %add3A_982 = arith.addi %mul3A_980, %add3A_981 : i32
      %get3A_983 = arith.index_cast %add3A_982 : i32 to index
      %get3A_984 = tpu.vector_load %arg5[%get3A_983] {strides = array<i32>} : memref<13312xi32, #tpu.memory_space<vmem>>, vector<16xi32>,
      %add3A_985 = vector.broadcast %mul3A_948 : i32 to vector<16xi32>
      %add3A_986 = arith.addi %get3A_984, %add3A_985 : vector<16xi32>
      %swap3A_987 = arith.constant 48 : index
      %swap3A_988 = tpu.vector_load %arg7[%swap3A_987] {strides = array<i32>} : memref<128xi32, #tpu.memory_space<vmem>>, vector<16xi32>,
      tpu.vector_store %arg7[%swap3A_987], %add3A_986 {strides = array<i32>} : memref<128xi32, #tpu.memory_space<vmem>>, vector<16xi32>,
      %mul3A_989 = arith.constant 128 : i32
      %mul3A_990 = arith.muli %add3A_941, %mul3A_989 : i32
      %add3A_991 = arith.constant 64 : i32
      %add3A_992 = arith.addi %mul3A_990, %add3A_991 : i32
      %get3A_993 = arith.index_cast %add3A_992 : i32 to index
      %get3A_994 = tpu.vector_load %arg5[%get3A_993] {strides = array<i32>} : memref<13312xi32, #tpu.memory_space<vmem>>, vector<16xi32>,
      %add3A_995 = vector.broadcast %mul3A_948 : i32 to vector<16xi32>
      %add3A_996 = arith.addi %get3A_994, %add3A_995 : vector<16xi32>
      %swap3A_997 = arith.constant 64 : index
      %swap3A_998 = tpu.vector_load %arg7[%swap3A_997] {strides = array<i32>} : memref<128xi32, #tpu.memory_space<vmem>>, vector<16xi32>,
      tpu.vector_store %arg7[%swap3A_997], %add3A_996 {strides = array<i32>} : memref<128xi32, #tpu.memory_space<vmem>>, vector<16xi32>,
      %mul3A_999 = arith.constant 128 : i32
      %mul3A_1000 = arith.muli %add3A_941, %mul3A_999 : i32
      %add3A_1001 = arith.constant 80 : i32
      %add3A_1002 = arith.addi %mul3A_1000, %add3A_1001 : i32
      %get3A_1003 = arith.index_cast %add3A_1002 : i32 to index
      %get3A_1004 = tpu.vector_load %arg5[%get3A_1003] {strides = array<i32>} : memref<13312xi32, #tpu.memory_space<vmem>>, vector<16xi32>,
      %add3A_1005 = vector.broadcast %mul3A_948 : i32 to vector<16xi32>
      %add3A_1006 = arith.addi %get3A_1004, %add3A_1005 : vector<16xi32>
      %swap3A_1007 = arith.constant 80 : index
      %swap3A_1008 = tpu.vector_load %arg7[%swap3A_1007] {strides = array<i32>} : memref<128xi32, #tpu.memory_space<vmem>>, vector<16xi32>,
      tpu.vector_store %arg7[%swap3A_1007], %add3A_1006 {strides = array<i32>} : memref<128xi32, #tpu.memory_space<vmem>>, vector<16xi32>,
      %mul3A_1009 = arith.constant 128 : i32
      %mul3A_1010 = arith.muli %add3A_941, %mul3A_1009 : i32
      %add3A_1011 = arith.constant 96 : i32
      %add3A_1012 = arith.addi %mul3A_1010, %add3A_1011 : i32
      %get3A_1013 = arith.index_cast %add3A_1012 : i32 to index
      %get3A_1014 = tpu.vector_load %arg5[%get3A_1013] {strides = array<i32>} : memref<13312xi32, #tpu.memory_space<vmem>>, vector<16xi32>,
      %add3A_1015 = vector.broadcast %mul3A_948 : i32 to vector<16xi32>
      %add3A_1016 = arith.addi %get3A_1014, %add3A_1015 : vector<16xi32>
      %swap3A_1017 = arith.constant 96 : index
      %swap3A_1018 = tpu.vector_load %arg7[%swap3A_1017] {strides = array<i32>} : memref<128xi32, #tpu.memory_space<vmem>>, vector<16xi32>,
      tpu.vector_store %arg7[%swap3A_1017], %add3A_1016 {strides = array<i32>} : memref<128xi32, #tpu.memory_space<vmem>>, vector<16xi32>,
      %mul3A_1019 = arith.constant 128 : i32
      %mul3A_1020 = arith.muli %add3A_941, %mul3A_1019 : i32
      %add3A_1021 = arith.constant 112 : i32
      %add3A_1022 = arith.addi %mul3A_1020, %add3A_1021 : i32
      %get3A_1023 = arith.index_cast %add3A_1022 : i32 to index
      %get3A_1024 = tpu.vector_load %arg5[%get3A_1023] {strides = array<i32>} : memref<13312xi32, #tpu.memory_space<vmem>>, vector<16xi32>,
      %add3A_1025 = vector.broadcast %mul3A_948 : i32 to vector<16xi32>
      %add3A_1026 = arith.addi %get3A_1024, %add3A_1025 : vector<16xi32>
      %swap3A_1027 = arith.constant 112 : index
      %swap3A_1028 = tpu.vector_load %arg7[%swap3A_1027] {strides = array<i32>} : memref<128xi32, #tpu.memory_space<vmem>>, vector<16xi32>,
      tpu.vector_store %arg7[%swap3A_1027], %add3A_1026 {strides = array<i32>} : memref<128xi32, #tpu.memory_space<vmem>>, vector<16xi32>,
      %dma_start3A_1029 = arith.constant 0 : i32
      %dma_start3A_1030 = arith.constant 0 : i32
      %dma_start3A_1031 = tpu.memref_slice %arg2[%dma_start3A_1029, %dma_start3A_1030] : memref<2600000x128xf32, #tpu.memory_space<hbm>> -> memref<2600000x128xf32, #tpu.memory_space<hbm>>
      tpu.enqueue_indirect_dma source(%dma_start3A_1031 : memref<2600000x128xf32, #tpu.memory_space<hbm>>) target(%arg11 : memref<128x128xf32, #tpu.memory_space<vmem>>) offsets(%arg7 : memref<128xi32, #tpu.memory_space<vmem>>) semaphore(%arg14 : memref<!tpu.dma_semaphore, #tpu.memory_space<semaphore_mem>>)
    }
    %scan3A_392 = arith.constant 24 : i32
    %dma_wait3A_393 = arith.constant 0 : i32
    %dma_wait3A_394 = arith.constant 0 : i32
    %dma_wait3A_395 = tpu.memref_slice %arg2[%dma_wait3A_393, %dma_wait3A_394] : memref<2600000x128xf32, #tpu.memory_space<hbm>> -> memref<2600000x128xf32, #tpu.memory_space<hbm>>
    tpu.wait_indirect_dma semaphore(%arg14 : memref<!tpu.dma_semaphore, #tpu.memory_space<semaphore_mem>>) src(%dma_wait3A_395 : memref<2600000x128xf32, #tpu.memory_space<hbm>>) dst(%arg10 : memref<128x128xf32, #tpu.memory_space<vmem>>)
    %add3A_396 = arith.constant 12800 : i32
    %add3A_397 = arith.addi %mul3A_2, %add3A_396 : i32
    %dma_start3A_398 = arith.constant 0 : i32
    %dma_start3A_399 = tpu.memref_slice %arg4[%add3A_397, %dma_start3A_398] : memref<425984x128xf32, #tpu.memory_space<hbm>> -> memref<128x128xf32, #tpu.memory_space<hbm>>
    %dma_start3A_400 = arith.constant 0 : i32
    %dma_start3A_401 = tpu.memref_slice %arg4[%add3A_397, %dma_start3A_400] : memref<425984x128xf32, #tpu.memory_space<hbm>> -> memref<128x128xf32, #tpu.memory_space<hbm>>
    tpu.enqueue_dma source(%arg10 : memref<128x128xf32, #tpu.memory_space<vmem>>) target(%dma_start3A_401 : memref<128x128xf32, #tpu.memory_space<hbm>>) target_semaphore(%arg15 : memref<!tpu.dma_semaphore, #tpu.memory_space<semaphore_mem>>)
    %dma_wait3A_402 = arith.constant 0 : i32
    %dma_wait3A_403 = arith.constant 0 : i32
    %dma_wait3A_404 = tpu.memref_slice %arg4[%dma_wait3A_402, %dma_wait3A_403] : memref<425984x128xf32, #tpu.memory_space<hbm>> -> memref<128x128xf32, #tpu.memory_space<hbm>>
    %dma_wait3A_405 = arith.constant 0 : i32
    %dma_wait3A_406 = arith.constant 0 : i32
    %dma_wait3A_407 = tpu.memref_slice %arg4[%dma_wait3A_405, %dma_wait3A_406] : memref<425984x128xf32, #tpu.memory_space<hbm>> -> memref<128x128xf32, #tpu.memory_space<hbm>>
    tpu.wait_dma2 semaphore(%arg15 : memref<!tpu.dma_semaphore, #tpu.memory_space<semaphore_mem>>) src(%dma_wait3A_407 : memref<128x128xf32, #tpu.memory_space<hbm>>) dst(%arg12 : memref<128x128xf32, #tpu.memory_space<vmem>>)
    %add3A_408 = arith.constant 13056 : i32
    %add3A_409 = arith.addi %mul3A_2, %add3A_408 : i32
    %shift_right_arithmetic3A_410 = arith.constant 14 : i32
    %shift_right_arithmetic3A_411 = arith.shrsi %add3A_409, %shift_right_arithmetic3A_410 : i32
    %mul3A_412 = arith.constant 100000 : i32
    %mul3A_413 = arith.muli %shift_right_arithmetic3A_411, %mul3A_412 : i32
    %get3A_414 = arith.constant 13056 : index
    %get3A_415 = tpu.vector_load %arg5[%get3A_414] {strides = array<i32>} : memref<13312xi32, #tpu.memory_space<vmem>>, vector<16xi32>,
    %add3A_416 = vector.broadcast %mul3A_413 : i32 to vector<16xi32>
    %add3A_417 = arith.addi %get3A_415, %add3A_416 : vector<16xi32>
    %swap3A_418 = arith.constant 0 : index
    %swap3A_419 = tpu.vector_load %arg8[%swap3A_418] {strides = array<i32>} : memref<128xi32, #tpu.memory_space<vmem>>, vector<16xi32>,
    tpu.vector_store %arg8[%swap3A_418], %add3A_417 {strides = array<i32>} : memref<128xi32, #tpu.memory_space<vmem>>, vector<16xi32>,
    %get3A_420 = arith.constant 13072 : index
    %get3A_421 = tpu.vector_load %arg5[%get3A_420] {strides = array<i32>} : memref<13312xi32, #tpu.memory_space<vmem>>, vector<16xi32>,
    %add3A_422 = vector.broadcast %mul3A_413 : i32 to vector<16xi32>
    %add3A_423 = arith.addi %get3A_421, %add3A_422 : vector<16xi32>
    %swap3A_424 = arith.constant 16 : index
    %swap3A_425 = tpu.vector_load %arg8[%swap3A_424] {strides = array<i32>} : memref<128xi32, #tpu.memory_space<vmem>>, vector<16xi32>,
    tpu.vector_store %arg8[%swap3A_424], %add3A_423 {strides = array<i32>} : memref<128xi32, #tpu.memory_space<vmem>>, vector<16xi32>,
    %get3A_426 = arith.constant 13088 : index
    %get3A_427 = tpu.vector_load %arg5[%get3A_426] {strides = array<i32>} : memref<13312xi32, #tpu.memory_space<vmem>>, vector<16xi32>,
    %add3A_428 = vector.broadcast %mul3A_413 : i32 to vector<16xi32>
    %add3A_429 = arith.addi %get3A_427, %add3A_428 : vector<16xi32>
    %swap3A_430 = arith.constant 32 : index
    %swap3A_431 = tpu.vector_load %arg8[%swap3A_430] {strides = array<i32>} : memref<128xi32, #tpu.memory_space<vmem>>, vector<16xi32>,
    tpu.vector_store %arg8[%swap3A_430], %add3A_429 {strides = array<i32>} : memref<128xi32, #tpu.memory_space<vmem>>, vector<16xi32>,
    %get3A_432 = arith.constant 13104 : index
    %get3A_433 = tpu.vector_load %arg5[%get3A_432] {strides = array<i32>} : memref<13312xi32, #tpu.memory_space<vmem>>, vector<16xi32>,
    %add3A_434 = vector.broadcast %mul3A_413 : i32 to vector<16xi32>
    %add3A_435 = arith.addi %get3A_433, %add3A_434 : vector<16xi32>
    %swap3A_436 = arith.constant 48 : index
    %swap3A_437 = tpu.vector_load %arg8[%swap3A_436] {strides = array<i32>} : memref<128xi32, #tpu.memory_space<vmem>>, vector<16xi32>,
    tpu.vector_store %arg8[%swap3A_436], %add3A_435 {strides = array<i32>} : memref<128xi32, #tpu.memory_space<vmem>>, vector<16xi32>,
    %get3A_438 = arith.constant 13120 : index
    %get3A_439 = tpu.vector_load %arg5[%get3A_438] {strides = array<i32>} : memref<13312xi32, #tpu.memory_space<vmem>>, vector<16xi32>,
    %add3A_440 = vector.broadcast %mul3A_413 : i32 to vector<16xi32>
    %add3A_441 = arith.addi %get3A_439, %add3A_440 : vector<16xi32>
    %swap3A_442 = arith.constant 64 : index
    %swap3A_443 = tpu.vector_load %arg8[%swap3A_442] {strides = array<i32>} : memref<128xi32, #tpu.memory_space<vmem>>, vector<16xi32>,
    tpu.vector_store %arg8[%swap3A_442], %add3A_441 {strides = array<i32>} : memref<128xi32, #tpu.memory_space<vmem>>, vector<16xi32>,
    %get3A_444 = arith.constant 13136 : index
    %get3A_445 = tpu.vector_load %arg5[%get3A_444] {strides = array<i32>} : memref<13312xi32, #tpu.memory_space<vmem>>, vector<16xi32>,
    %add3A_446 = vector.broadcast %mul3A_413 : i32 to vector<16xi32>
    %add3A_447 = arith.addi %get3A_445, %add3A_446 : vector<16xi32>
    %swap3A_448 = arith.constant 80 : index
    %swap3A_449 = tpu.vector_load %arg8[%swap3A_448] {strides = array<i32>} : memref<128xi32, #tpu.memory_space<vmem>>, vector<16xi32>,
    tpu.vector_store %arg8[%swap3A_448], %add3A_447 {strides = array<i32>} : memref<128xi32, #tpu.memory_space<vmem>>, vector<16xi32>,
    %get3A_450 = arith.constant 13152 : index
    %get3A_451 = tpu.vector_load %arg5[%get3A_450] {strides = array<i32>} : memref<13312xi32, #tpu.memory_space<vmem>>, vector<16xi32>,
    %add3A_452 = vector.broadcast %mul3A_413 : i32 to vector<16xi32>
    %add3A_453 = arith.addi %get3A_451, %add3A_452 : vector<16xi32>
    %swap3A_454 = arith.constant 96 : index
    %swap3A_455 = tpu.vector_load %arg8[%swap3A_454] {strides = array<i32>} : memref<128xi32, #tpu.memory_space<vmem>>, vector<16xi32>,
    tpu.vector_store %arg8[%swap3A_454], %add3A_453 {strides = array<i32>} : memref<128xi32, #tpu.memory_space<vmem>>, vector<16xi32>,
    %get3A_456 = arith.constant 13168 : index
    %get3A_457 = tpu.vector_load %arg5[%get3A_456] {strides = array<i32>} : memref<13312xi32, #tpu.memory_space<vmem>>, vector<16xi32>,
    %add3A_458 = vector.broadcast %mul3A_413 : i32 to vector<16xi32>
    %add3A_459 = arith.addi %get3A_457, %add3A_458 : vector<16xi32>
    %swap3A_460 = arith.constant 112 : index
    %swap3A_461 = tpu.vector_load %arg8[%swap3A_460] {strides = array<i32>} : memref<128xi32, #tpu.memory_space<vmem>>, vector<16xi32>,
    tpu.vector_store %arg8[%swap3A_460], %add3A_459 {strides = array<i32>} : memref<128xi32, #tpu.memory_space<vmem>>, vector<16xi32>,
    %dma_start3A_462 = arith.constant 0 : i32
    %dma_start3A_463 = arith.constant 0 : i32
    %dma_start3A_464 = tpu.memref_slice %arg2[%dma_start3A_462, %dma_start3A_463] : memref<2600000x128xf32, #tpu.memory_space<hbm>> -> memref<2600000x128xf32, #tpu.memory_space<hbm>>
    tpu.enqueue_indirect_dma source(%dma_start3A_464 : memref<2600000x128xf32, #tpu.memory_space<hbm>>) target(%arg12 : memref<128x128xf32, #tpu.memory_space<vmem>>) offsets(%arg8 : memref<128xi32, #tpu.memory_space<vmem>>) semaphore(%arg14 : memref<!tpu.dma_semaphore, #tpu.memory_space<semaphore_mem>>)
    %dma_wait3A_465 = arith.constant 0 : i32
    %dma_wait3A_466 = arith.constant 0 : i32
    %dma_wait3A_467 = tpu.memref_slice %arg2[%dma_wait3A_465, %dma_wait3A_466] : memref<2600000x128xf32, #tpu.memory_space<hbm>> -> memref<2600000x128xf32, #tpu.memory_space<hbm>>
    tpu.wait_indirect_dma semaphore(%arg14 : memref<!tpu.dma_semaphore, #tpu.memory_space<semaphore_mem>>) src(%dma_wait3A_467 : memref<2600000x128xf32, #tpu.memory_space<hbm>>) dst(%arg11 : memref<128x128xf32, #tpu.memory_space<vmem>>)
    %add3A_468 = arith.constant 12928 : i32
    %add3A_469 = arith.addi %mul3A_2, %add3A_468 : i32
    %dma_start3A_470 = arith.constant 0 : i32
    %dma_start3A_471 = tpu.memref_slice %arg4[%add3A_469, %dma_start3A_470] : memref<425984x128xf32, #tpu.memory_space<hbm>> -> memref<128x128xf32, #tpu.memory_space<hbm>>
    %dma_start3A_472 = arith.constant 0 : i32
    %dma_start3A_473 = tpu.memref_slice %arg4[%add3A_469, %dma_start3A_472] : memref<425984x128xf32, #tpu.memory_space<hbm>> -> memref<128x128xf32, #tpu.memory_space<hbm>>
    tpu.enqueue_dma source(%arg11 : memref<128x128xf32, #tpu.memory_space<vmem>>) target(%dma_start3A_473 : memref<128x128xf32, #tpu.memory_space<hbm>>) target_semaphore(%arg15 : memref<!tpu.dma_semaphore, #tpu.memory_space<semaphore_mem>>)
    %dma_wait3A_474 = arith.constant 0 : i32
    %dma_wait3A_475 = arith.constant 0 : i32
    %dma_wait3A_476 = tpu.memref_slice %arg4[%dma_wait3A_474, %dma_wait3A_475] : memref<425984x128xf32, #tpu.memory_space<hbm>> -> memref<128x128xf32, #tpu.memory_space<hbm>>
    %dma_wait3A_477 = arith.constant 0 : i32
    %dma_wait3A_478 = arith.constant 0 : i32
    %dma_wait3A_479 = tpu.memref_slice %arg4[%dma_wait3A_477, %dma_wait3A_478] : memref<425984x128xf32, #tpu.memory_space<hbm>> -> memref<128x128xf32, #tpu.memory_space<hbm>>
    tpu.wait_dma2 semaphore(%arg15 : memref<!tpu.dma_semaphore, #tpu.memory_space<semaphore_mem>>) src(%dma_wait3A_479 : memref<128x128xf32, #tpu.memory_space<hbm>>) dst(%arg13 : memref<128x128xf32, #tpu.memory_space<vmem>>)
    %add3A_480 = arith.constant 13184 : i32
    %add3A_481 = arith.addi %mul3A_2, %add3A_480 : i32
    %shift_right_arithmetic3A_482 = arith.constant 14 : i32
    %shift_right_arithmetic3A_483 = arith.shrsi %add3A_481, %shift_right_arithmetic3A_482 : i32
    %mul3A_484 = arith.constant 100000 : i32
    %mul3A_485 = arith.muli %shift_right_arithmetic3A_483, %mul3A_484 : i32
    %get3A_486 = arith.constant 13184 : index
    %get3A_487 = tpu.vector_load %arg5[%get3A_486] {strides = array<i32>} : memref<13312xi32, #tpu.memory_space<vmem>>, vector<16xi32>,
    %add3A_488 = vector.broadcast %mul3A_485 : i32 to vector<16xi32>
    %add3A_489 = arith.addi %get3A_487, %add3A_488 : vector<16xi32>
    %swap3A_490 = arith.constant 0 : index
    %swap3A_491 = tpu.vector_load %arg9[%swap3A_490] {strides = array<i32>} : memref<128xi32, #tpu.memory_space<vmem>>, vector<16xi32>,
    tpu.vector_store %arg9[%swap3A_490], %add3A_489 {strides = array<i32>} : memref<128xi32, #tpu.memory_space<vmem>>, vector<16xi32>,
    %get3A_492 = arith.constant 13200 : index
    %get3A_493 = tpu.vector_load %arg5[%get3A_492] {strides = array<i32>} : memref<13312xi32, #tpu.memory_space<vmem>>, vector<16xi32>,
    %add3A_494 = vector.broadcast %mul3A_485 : i32 to vector<16xi32>
    %add3A_495 = arith.addi %get3A_493, %add3A_494 : vector<16xi32>
    %swap3A_496 = arith.constant 16 : index
    %swap3A_497 = tpu.vector_load %arg9[%swap3A_496] {strides = array<i32>} : memref<128xi32, #tpu.memory_space<vmem>>, vector<16xi32>,
    tpu.vector_store %arg9[%swap3A_496], %add3A_495 {strides = array<i32>} : memref<128xi32, #tpu.memory_space<vmem>>, vector<16xi32>,
    %get3A_498 = arith.constant 13216 : index
    %get3A_499 = tpu.vector_load %arg5[%get3A_498] {strides = array<i32>} : memref<13312xi32, #tpu.memory_space<vmem>>, vector<16xi32>,
    %add3A_500 = vector.broadcast %mul3A_485 : i32 to vector<16xi32>
    %add3A_501 = arith.addi %get3A_499, %add3A_500 : vector<16xi32>
    %swap3A_502 = arith.constant 32 : index
    %swap3A_503 = tpu.vector_load %arg9[%swap3A_502] {strides = array<i32>} : memref<128xi32, #tpu.memory_space<vmem>>, vector<16xi32>,
    tpu.vector_store %arg9[%swap3A_502], %add3A_501 {strides = array<i32>} : memref<128xi32, #tpu.memory_space<vmem>>, vector<16xi32>,
    %get3A_504 = arith.constant 13232 : index
    %get3A_505 = tpu.vector_load %arg5[%get3A_504] {strides = array<i32>} : memref<13312xi32, #tpu.memory_space<vmem>>, vector<16xi32>,
    %add3A_506 = vector.broadcast %mul3A_485 : i32 to vector<16xi32>
    %add3A_507 = arith.addi %get3A_505, %add3A_506 : vector<16xi32>
    %swap3A_508 = arith.constant 48 : index
    %swap3A_509 = tpu.vector_load %arg9[%swap3A_508] {strides = array<i32>} : memref<128xi32, #tpu.memory_space<vmem>>, vector<16xi32>,
    tpu.vector_store %arg9[%swap3A_508], %add3A_507 {strides = array<i32>} : memref<128xi32, #tpu.memory_space<vmem>>, vector<16xi32>,
    %get3A_510 = arith.constant 13248 : index
    %get3A_511 = tpu.vector_load %arg5[%get3A_510] {strides = array<i32>} : memref<13312xi32, #tpu.memory_space<vmem>>, vector<16xi32>,
    %add3A_512 = vector.broadcast %mul3A_485 : i32 to vector<16xi32>
    %add3A_513 = arith.addi %get3A_511, %add3A_512 : vector<16xi32>
    %swap3A_514 = arith.constant 64 : index
    %swap3A_515 = tpu.vector_load %arg9[%swap3A_514] {strides = array<i32>} : memref<128xi32, #tpu.memory_space<vmem>>, vector<16xi32>,
    tpu.vector_store %arg9[%swap3A_514], %add3A_513 {strides = array<i32>} : memref<128xi32, #tpu.memory_space<vmem>>, vector<16xi32>,
    %get3A_516 = arith.constant 13264 : index
    %get3A_517 = tpu.vector_load %arg5[%get3A_516] {strides = array<i32>} : memref<13312xi32, #tpu.memory_space<vmem>>, vector<16xi32>,
    %add3A_518 = vector.broadcast %mul3A_485 : i32 to vector<16xi32>
    %add3A_519 = arith.addi %get3A_517, %add3A_518 : vector<16xi32>
    %swap3A_520 = arith.constant 80 : index
    %swap3A_521 = tpu.vector_load %arg9[%swap3A_520] {strides = array<i32>} : memref<128xi32, #tpu.memory_space<vmem>>, vector<16xi32>,
    tpu.vector_store %arg9[%swap3A_520], %add3A_519 {strides = array<i32>} : memref<128xi32, #tpu.memory_space<vmem>>, vector<16xi32>,
    %get3A_522 = arith.constant 13280 : index
    %get3A_523 = tpu.vector_load %arg5[%get3A_522] {strides = array<i32>} : memref<13312xi32, #tpu.memory_space<vmem>>, vector<16xi32>,
    %add3A_524 = vector.broadcast %mul3A_485 : i32 to vector<16xi32>
    %add3A_525 = arith.addi %get3A_523, %add3A_524 : vector<16xi32>
    %swap3A_526 = arith.constant 96 : index
    %swap3A_527 = tpu.vector_load %arg9[%swap3A_526] {strides = array<i32>} : memref<128xi32, #tpu.memory_space<vmem>>, vector<16xi32>,
    tpu.vector_store %arg9[%swap3A_526], %add3A_525 {strides = array<i32>} : memref<128xi32, #tpu.memory_space<vmem>>, vector<16xi32>,
    %get3A_528 = arith.constant 13296 : index
    %get3A_529 = tpu.vector_load %arg5[%get3A_528] {strides = array<i32>} : memref<13312xi32, #tpu.memory_space<vmem>>, vector<16xi32>,
    %add3A_530 = vector.broadcast %mul3A_485 : i32 to vector<16xi32>
    %add3A_531 = arith.addi %get3A_529, %add3A_530 : vector<16xi32>
    %swap3A_532 = arith.constant 112 : index
    %swap3A_533 = tpu.vector_load %arg9[%swap3A_532] {strides = array<i32>} : memref<128xi32, #tpu.memory_space<vmem>>, vector<16xi32>,
    tpu.vector_store %arg9[%swap3A_532], %add3A_531 {strides = array<i32>} : memref<128xi32, #tpu.memory_space<vmem>>, vector<16xi32>,
    %dma_start3A_534 = arith.constant 0 : i32
    %dma_start3A_535 = arith.constant 0 : i32
    %dma_start3A_536 = tpu.memref_slice %arg2[%dma_start3A_534, %dma_start3A_535] : memref<2600000x128xf32, #tpu.memory_space<hbm>> -> memref<2600000x128xf32, #tpu.memory_space<hbm>>
    tpu.enqueue_indirect_dma source(%dma_start3A_536 : memref<2600000x128xf32, #tpu.memory_space<hbm>>) target(%arg13 : memref<128x128xf32, #tpu.memory_space<vmem>>) offsets(%arg9 : memref<128xi32, #tpu.memory_space<vmem>>) semaphore(%arg14 : memref<!tpu.dma_semaphore, #tpu.memory_space<semaphore_mem>>)
    %dma_wait3A_537 = arith.constant 0 : i32
    %dma_wait3A_538 = arith.constant 0 : i32
    %dma_wait3A_539 = tpu.memref_slice %arg2[%dma_wait3A_537, %dma_wait3A_538] : memref<2600000x128xf32, #tpu.memory_space<hbm>> -> memref<2600000x128xf32, #tpu.memory_space<hbm>>
    tpu.wait_indirect_dma semaphore(%arg14 : memref<!tpu.dma_semaphore, #tpu.memory_space<semaphore_mem>>) src(%dma_wait3A_539 : memref<2600000x128xf32, #tpu.memory_space<hbm>>) dst(%arg12 : memref<128x128xf32, #tpu.memory_space<vmem>>)
    %add3A_540 = arith.constant 13056 : i32
    %add3A_541 = arith.addi %mul3A_2, %add3A_540 : i32
    %dma_start3A_542 = arith.constant 0 : i32
    %dma_start3A_543 = tpu.memref_slice %arg4[%add3A_541, %dma_start3A_542] : memref<425984x128xf32, #tpu.memory_space<hbm>> -> memref<128x128xf32, #tpu.memory_space<hbm>>
    %dma_start3A_544 = arith.constant 0 : i32
    %dma_start3A_545 = tpu.memref_slice %arg4[%add3A_541, %dma_start3A_544] : memref<425984x128xf32, #tpu.memory_space<hbm>> -> memref<128x128xf32, #tpu.memory_space<hbm>>
    tpu.enqueue_dma source(%arg12 : memref<128x128xf32, #tpu.memory_space<vmem>>) target(%dma_start3A_545 : memref<128x128xf32, #tpu.memory_space<hbm>>) target_semaphore(%arg15 : memref<!tpu.dma_semaphore, #tpu.memory_space<semaphore_mem>>)
    %dma_wait3A_546 = arith.constant 0 : i32
    %dma_wait3A_547 = arith.constant 0 : i32
    %dma_wait3A_548 = tpu.memref_slice %arg2[%dma_wait3A_546, %dma_wait3A_547] : memref<2600000x128xf32, #tpu.memory_space<hbm>> -> memref<2600000x128xf32, #tpu.memory_space<hbm>>
    tpu.wait_indirect_dma semaphore(%arg14 : memref<!tpu.dma_semaphore, #tpu.memory_space<semaphore_mem>>) src(%dma_wait3A_548 : memref<2600000x128xf32, #tpu.memory_space<hbm>>) dst(%arg13 : memref<128x128xf32, #tpu.memory_space<vmem>>)
    %add3A_549 = arith.constant 13184 : i32
    %add3A_550 = arith.addi %mul3A_2, %add3A_549 : i32
    %dma_start3A_551 = arith.constant 0 : i32
    %dma_start3A_552 = tpu.memref_slice %arg4[%add3A_550, %dma_start3A_551] : memref<425984x128xf32, #tpu.memory_space<hbm>> -> memref<128x128xf32, #tpu.memory_space<hbm>>
    %dma_start3A_553 = arith.constant 0 : i32
    %dma_start3A_554 = tpu.memref_slice %arg4[%add3A_550, %dma_start3A_553] : memref<425984x128xf32, #tpu.memory_space<hbm>> -> memref<128x128xf32, #tpu.memory_space<hbm>>
    tpu.enqueue_dma source(%arg13 : memref<128x128xf32, #tpu.memory_space<vmem>>) target(%dma_start3A_554 : memref<128x128xf32, #tpu.memory_space<hbm>>) target_semaphore(%arg15 : memref<!tpu.dma_semaphore, #tpu.memory_space<semaphore_mem>>)
    %dma_wait3A_555 = arith.constant 0 : i32
    %dma_wait3A_556 = arith.constant 0 : i32
    %dma_wait3A_557 = tpu.memref_slice %arg4[%dma_wait3A_555, %dma_wait3A_556] : memref<425984x128xf32, #tpu.memory_space<hbm>> -> memref<128x128xf32, #tpu.memory_space<hbm>>
    %dma_wait3A_558 = arith.constant 0 : i32
    %dma_wait3A_559 = arith.constant 0 : i32
    %dma_wait3A_560 = tpu.memref_slice %arg4[%dma_wait3A_558, %dma_wait3A_559] : memref<425984x128xf32, #tpu.memory_space<hbm>> -> memref<128x128xf32, #tpu.memory_space<hbm>>
    tpu.wait_dma2 semaphore(%arg15 : memref<!tpu.dma_semaphore, #tpu.memory_space<semaphore_mem>>) src(%dma_wait3A_560 : memref<128x128xf32, #tpu.memory_space<hbm>>) dst(%arg10 : memref<128x128xf32, #tpu.memory_space<vmem>>)
    %dma_wait3A_561 = arith.constant 0 : i32
    %dma_wait3A_562 = arith.constant 0 : i32
    %dma_wait3A_563 = tpu.memref_slice %arg4[%dma_wait3A_561, %dma_wait3A_562] : memref<425984x128xf32, #tpu.memory_space<hbm>> -> memref<128x128xf32, #tpu.memory_space<hbm>>
    %dma_wait3A_564 = arith.constant 0 : i32
    %dma_wait3A_565 = arith.constant 0 : i32
    %dma_wait3A_566 = tpu.memref_slice %arg4[%dma_wait3A_564, %dma_wait3A_565] : memref<425984x128xf32, #tpu.memory_space<hbm>> -> memref<128x128xf32, #tpu.memory_space<hbm>>
    tpu.wait_dma2 semaphore(%arg15 : memref<!tpu.dma_semaphore, #tpu.memory_space<semaphore_mem>>) src(%dma_wait3A_566 : memref<128x128xf32, #tpu.memory_space<hbm>>) dst(%arg11 : memref<128x128xf32, #tpu.memory_space<vmem>>)
    %dma_wait3A_567 = arith.constant 0 : i32
    %dma_wait3A_568 = arith.constant 0 : i32
    %dma_wait3A_569 = tpu.memref_slice %arg4[%dma_wait3A_567, %dma_wait3A_568] : memref<425984x128xf32, #tpu.memory_space<hbm>> -> memref<128x128xf32, #tpu.memory_space<hbm>>
    %dma_wait3A_570 = arith.constant 0 : i32
    %dma_wait3A_571 = arith.constant 0 : i32
    %dma_wait3A_572 = tpu.memref_slice %arg4[%dma_wait3A_570, %dma_wait3A_571] : memref<425984x128xf32, #tpu.memory_space<hbm>> -> memref<128x128xf32, #tpu.memory_space<hbm>>
    tpu.wait_dma2 semaphore(%arg15 : memref<!tpu.dma_semaphore, #tpu.memory_space<semaphore_mem>>) src(%dma_wait3A_572 : memref<128x128xf32, #tpu.memory_space<hbm>>) dst(%arg12 : memref<128x128xf32, #tpu.memory_space<vmem>>)
    %dma_wait3A_573 = arith.constant 0 : i32
    %dma_wait3A_574 = arith.constant 0 : i32
    %dma_wait3A_575 = tpu.memref_slice %arg4[%dma_wait3A_573, %dma_wait3A_574] : memref<425984x128xf32, #tpu.memory_space<hbm>> -> memref<128x128xf32, #tpu.memory_space<hbm>>
    %dma_wait3A_576 = arith.constant 0 : i32
    %dma_wait3A_577 = arith.constant 0 : i32
    %dma_wait3A_578 = tpu.memref_slice %arg4[%dma_wait3A_576, %dma_wait3A_577] : memref<425984x128xf32, #tpu.memory_space<hbm>> -> memref<128x128xf32, #tpu.memory_space<hbm>>
    tpu.wait_dma2 semaphore(%arg15 : memref<!tpu.dma_semaphore, #tpu.memory_space<semaphore_mem>>) src(%dma_wait3A_578 : memref<128x128xf32, #tpu.memory_space<hbm>>) dst(%arg13 : memref<128x128xf32, #tpu.memory_space<vmem>>)
    return
  }
}

</mosaic_0001>

<sc_bundles>
// kernel: _lookup.3.cloned.1.call-start
scs
__scs_entry_jumppad:
0x0: {  	(pc) =	sbr.rel $0x88, $3  }
0x1: {  	(tag) =	ssettag $0x0;
	lr =	simm.s32 $0x1  }
0x2: {  	[smem:$0x3F9F] =	sst lr;
	_ =	strace $0xD0000000  }
0x3: {  	_ = 	snop  }
0x4: {  	_ = 	snop  }
0x5: {  	_ = 	snop  }
0x6: {  	_ = 	snop  }
0x7: {  	_ = 	snop  }
__scs_overlays_trampoline_lowered:
0x8: {  	[smem:$0x3FAE] =	sst s0  }
0x9: {  	[smem:$0x3FAF] =	sst s1  }
0xa: {  	[smem:$0x3FB0] =	sst s2  }
0xb: {  	[smem:$0x3FB1] =	sst s3  }
0xc: {  	[smem:$0x3FB2] =	sst s4  }
0xd: {  	[smem:$0x3FB3] =	sst s5  }
0xe: {  	[smem:$0x3FB4] =	sst s6  }
0xf: {  	[smem:$0x3FB5] =	sst s7  }
0x10: {  	[smem:$0x3FB6] =	sst s8  }
0x11: {  	[smem:$0x3FB7] =	sst s9;
	s0 =	simm.s32 @!p0 $0x0  }
0x12: {  	s1 =	sld [smem:$0x3F9D];
	s0 =	simm.s32 @p0 $0x1  }
0x13: {  	[smem:$0x3FB8] =	sst s0;
	s0 =	simm.s32 @!p1 $0x0  }
0x14: {  	s2 =	sld [smem:$0x3F9C];
	s0 =	simm.s32 @p1 $0x1  }
0x15: {  	[smem:$0x3FB9] =	sst s0;
	s0 =	simm.s32 @!p2 $0x0  }
0x16: {  	s3 =	sld [smem:$0x3FDB];
	s0 =	simm.s32 @p2 $0x1  }
0x17: {  	s4 =	simm.s32 $0x1BF5;
	[smem:$0x3FBB] =	sst s0  }
0x18: {  	s0 =	sld [smem:$0x3F9E];
	_ =	swait.ge [sflag:s4], $0x0  }
0x19: {  	s7 =	sld [smem:$0x3F9F]  }
0x1a: {  	s8 =	sadd.s32 $0xFFFFE003, lr  }
0x1b: {  	s9 =	sadd.s32 $0xFFFFFEF7, lr;
	s5 =	simm.s32 $0xFFFFFFFF;
	p2 =	slt.u32 s8, $0xFFFFF086  }
0x1c: {  	p1 =	slt.u32 s9, $0xF7A;
	s5 =	simm.s32 @!p2 $0x0  }
0x1d: {  	s5 =	simm.s32 @p1 $0x1;
	p0 =	seq.s32 s7, s2  }
0x1e: {  	s7 =	smul.u32 @!p0 $0xF7A, s2;
	p2 =	seq.s32 @!p0 s5, $0x0  }
0x1f: {  	s9 =	smul.u32 $0xF7A, s1;
	s8 =	simm.s32 @!p0 $0x1BF5;
	p2 =	por !p2, p0  }
0x20: {  	[sflag:s8] =	ssyncset.s32 @!p0 $0xFFFFF086;
	s6 =	sadd.s32 @!p0 s3, s7;
	s7 =	simm.s32 @!p0 $0x108  }
0x21: {  	s3 =	sadd.s32 s3, s9;
	s6 =	sadd.s32 @!p0 $0x88, s6;
	s7 =	simm.s32 @p2 $0x1082  }
0x22: {  	[simem:s7], [sflag:s8] =	dma.local @!p0 [hbm:s6], $0xF7A  }
0x23: {  	s9 =	sor.u32 $0xD0000000, s2;
	s6 =	simm.s32 $0x108;
	_ =	swait.ge @!p0 [sflag:s8], $0x0  }
0x24: {  	s3 =	sadd.s32 $0x88, s3;
	s6 =	simm.s32 @!p1 $0x1082;
	[sflag:s4] =	ssyncset.s32 $0xFFFFF086  }
0x25: {  	[simem:s6], [sflag:s4] =	dma.local [hbm:s3], $0xF7A  }
0x26: {  	[smem:$0x3F9F] =	sst s1;
	(tag) =	ssettag s2;
	_ =	strace s9  }
0x27: {  	s1 =	sld [smem:$0x3FAF]  }
0x28: {  	s2 =	sld [smem:$0x3FB0]  }
0x29: {  	s4 =	sld [smem:$0x3FB2]  }
0x2a: {  	p0 =	seq.s32 s5, $0x0;
	s5 =	sld [smem:$0x3FB3]  }
0x2b: {  	s6 =	sld [smem:$0x3FB4]  }
0x2c: {  	s7 =	sld [smem:$0x3FB5]  }
0x2d: {  	s3 =	simm.s32 $0x108;
	s8 =	sld [smem:$0x3FB6]  }
0x2e: {  	s3 =	simm.s32 @!p0 $0x1082;
	s9 =	sld [smem:$0x3FB7]  }
0x2f: {  	lr =	sadd.s32 s0, s3;
	s0 =	sld [smem:$0x3FAE]  }
0x30: {  	s3 =	sld [smem:$0x3FB1]  }
0x31: {  	[smem:$0x3FBA] =	sst s10  }
0x32: {  	s10 =	sld [smem:$0x3FB8];
	_ =	sdelay $0x3  }
0x33: {  	p0 =	seq.s32 s10, $0x1;
	s10 =	sld [smem:$0x3FBA];
	_ =	sdelay $0x3  }
0x34: {  	[smem:$0x3FBA] =	sst s10  }
0x35: {  	s10 =	sld [smem:$0x3FB9];
	_ =	sdelay $0x3  }
0x36: {  	p1 =	seq.s32 s10, $0x1;
	s10 =	sld [smem:$0x3FBA];
	_ =	sdelay $0x3  }
0x37: {  	[smem:$0x3FBA] =	sst s10  }
0x38: {  	s10 =	sld [smem:$0x3FBB]  }
0x39: {  	_ = 	snop;
	(pc) =	sbr.ind lr, $3  }
0x3a: {  	_ = 	snop  }
0x3b: {  	_ = 	snop  }
0x3c: {  	p2 =	seq.s32 s10, $0x1;
	s10 =	sld [smem:$0x3FBA]  }
0x3d: {  	_ =	shalt  }
0x3e: {  	_ =	shalt  }
0x3f: {  	_ =	shalt  }
0x40: {  	_ =	shalt  }
0x41: {  	_ =	shalt  }
0x42: {  	_ =	shalt  }
0x43: {  	_ =	shalt  }
0x44: {  	_ =	shalt  }
0x45: {  	_ =	shalt  }
0x46: {  	_ =	shalt  }
0x47: {  	_ =	shalt  }
0x48: {  	_ =	shalt  }
0x49: {  	_ =	shalt  }
0x4a: {  	_ =	shalt  }
0x4b: {  	_ =	shalt  }
0x4c: {  	_ =	shalt  }
0x4d: {  	_ =	shalt  }
0x4e: {  	_ =	shalt  }
0x4f: {  	_ =	shalt  }
0x50: {  	_ =	shalt  }
0x51: {  	_ =	shalt  }
0x52: {  	_ =	shalt  }
0x53: {  	_ =	shalt  }
0x54: {  	_ =	shalt  }
0x55: {  	_ =	shalt  }
0x56: {  	_ =	shalt  }
0x57: {  	_ =	shalt  }
0x58: {  	_ =	shalt  }
0x59: {  	_ =	shalt  }
0x5a: {  	_ =	shalt  }
0x5b: {  	_ =	shalt  }
0x5c: {  	_ =	shalt  }
0x5d: {  	_ =	shalt  }
0x5e: {  	_ =	shalt  }
0x5f: {  	_ =	shalt  }
0x60: {  	_ =	shalt  }
0x61: {  	_ =	shalt  }
0x62: {  	_ =	shalt  }
0x63: {  	_ =	shalt  }
0x64: {  	_ =	shalt  }
0x65: {  	_ =	shalt  }
0x66: {  	_ =	shalt  }
0x67: {  	_ =	shalt  }
0x68: {  	_ =	shalt  }
0x69: {  	_ =	shalt  }
0x6a: {  	_ =	shalt  }
0x6b: {  	_ =	shalt  }
0x6c: {  	_ =	shalt  }
0x6d: {  	_ =	shalt  }
0x6e: {  	_ =	shalt  }
0x6f: {  	_ =	shalt  }
0x70: {  	_ =	shalt  }
0x71: {  	_ =	shalt  }
0x72: {  	_ =	shalt  }
0x73: {  	_ =	shalt  }
0x74: {  	_ =	shalt  }
0x75: {  	_ =	shalt  }
0x76: {  	_ =	shalt  }
0x77: {  	_ =	shalt  }
0x78: {  	_ =	shalt  }
0x79: {  	_ =	shalt  }
0x7a: {  	_ =	shalt  }
0x7b: {  	_ =	shalt  }
0x7c: {  	_ =	shalt  }
0x7d: {  	_ =	shalt  }
0x7e: {  	_ =	shalt  }
0x7f: {  	_ =	shalt  }
0x80: {  	_ =	shalt  }
0x81: {  	_ =	shalt  }
0x82: {  	_ =	shalt  }
0x83: {  	_ =	shalt  }
0x84: {  	_ =	shalt  }
0x85: {  	_ =	shalt  }
0x86: {  	_ =	shalt  }
0x87: {  	_ =	shalt  }
.Lfunc_end0:
.L_simem_size_0:
called_computation_lowered:
.L_overlay_start_0:
0x88: {  	s2 =	sld [smem:$0x3FD9]  }
0x89: {  	s3 =	sld [smem:$0x3FFE];
	_ =	sdelay $0x1  }
0x8a: {  	s1 =	srdreg.scid  }
0x8b: {  	s0 =	sand.u32 $0x1, s1  }
0x8c: {  	s18 =	sshll.u32 s0, $0xA;
	s2 =	sadd.s32 s3, s2  }
0x8d: {  	s2 =	sadd.s32 s2, s18  }
0x8e: {  	[smem:$0x3FC6] =	sst s2  }
0x8f: {  	_ = 	snop  }
0x90: {  	s2 =	sld [smem:$0x3FC9]  }
0x91: {  	s19 =	sld [smem:$0x3FC8]  }
0x92: {  	s4 =	sld [smem:$0x3FD0];
	(tm) =	ssettm $0x1  }
0x93: {  	s5 =	sld [smem:$0x3FFB];
	_ =	sdelay $0x3  }
0x94: {  	_ =	strace s5  }
0x95: {  	s5 =	sld [smem:$0x3FFC];
	_ =	sdelay $0x3  }
0x96: {  	_ =	strace s5  }
0x97: {  	s5 =	sld [smem:$0x3FFD];
	_ =	sdelay $0x3  }
0x98: {  	_ =	strace s5  }
0x99: {  	_ =	strace $0x8FFFFFFF  }
0x9a: {  	s20 =	sld [smem:$0x3FDB];
	_ =	sdelay $0x1  }
0x9b: {  	s6 =	simm.s32 $_scs_section_size  }
0x9c: {  	s7 =	simm.s32 $_size__tile_overlayer_lowered;
	s8 =	simm.s32 $_tile_overlayer_lowered  }
0x9d: {  	s23 =	simm.s32 $0x1BFF;
	s22 =	sshll.u32 s8, $0x1;
	s5 =	sadd.s32 s6, s20  }
0x9e: {  	s9 =	simm.s32 $0x0;
	s21 =	sshll.u32 s7, $0x1;
	s7 =	sadd.s32 s22, s5  }
0x9f: {  	[timem:s9], [sflag:s23] =	dma.local [hbm:s7], s21  }
0xa0: {  	_ =	swait.ge [sflag:s23], s21  }
0xa1: {  	s6 =	ssub.s32 $0x0, s21;
	[sflag:s23] =	ssyncset.done $0x0  }
0xa2: {  	[sflag:s23] =	ssyncadd.s32 s6;
	_ =	sdelay $0x1  }
0xa3: {  	s24 =	simm.s32 $0x1B8B  }
0xa4: {  	_ =	swait.ge [sflag:s24], $0x1  }
0xa5: {  	[sflag:s24] =	ssyncset.done $0x0  }
0xa6: {  	s25 =	simm.s32 $0x1B8E;
	[sflag:s24] =	ssyncadd.s32 $0xFFFFFFFF  }
0xa7: {  	s26 =	simm.s32 $execute0_lowered;
	[smem:$0x3FD2] =	sst s25  }
0xa8: {  	s6 =	sshll.u32 s26, $0x1;
	_ =	strace $0x80000046;
	[dreg:$0x1] =	wrdreg $0xFFFFFFFF  }
0xa9: {  	s28 =	simm.s32 $_size_execute0_lowered;
	s5 =	sadd.s32 s5, s6;
	[dreg:$0x0] =	wrdreg $0x0  }
0xaa: {  	s6 =	sshll.u32 s28, $0x1;
	[dreg:$0x2] =	wrdreg s5  }
0xab: {  	[dreg:$0x3] =	wrdreg s6  }
0xac: {  	[dreg:$0x4] =	wrdreg $0xC0  }
0xad: {  	_ =	task [dreg:s9], $0x5FFFF  }
0xae: {  	[dreg:$0x1] =	wrdreg $0xFFFFFFFF  }
0xaf: {  	[dreg:$0x0] =	wrdreg $0x60  }
0xb0: {  	[dreg:$0x2] =	wrdreg s2  }
0xb1: {  	[dreg:$0x3] =	wrdreg s19  }
0xb2: {  	[dreg:$0x4] =	wrdreg s4  }
0xb3: {  	[dreg:$0x5] =	wrdreg $0x9  }
0xb4: {  	_ =	task.clear_ibuf [dreg:s9], $0x6FFFF;
	_ =	strace $0x90000046  }
0xb5: {  	s29 =	simm.s32 $0x9;
	_ =	strace $0x80000048  }
0xb6: {  	_ =	swait.ge [sflag:s29], $0x1  }
0xb7: {  	[sflag:s29] =	ssyncadd.s32 $0xFFFFFFFF  }
0xb8: {  	_ =	strace $0x90000048  }
0xb9: {  	_ =	sfence  }
0xba: {  	s30 =	sld [smem:$0x0];
	_ =	sdelay $0x2  }
0xbb: {  	s31 =	sshll.u32 s1, $0xD;
	s1 =	sshrl.u32 s1, $0x2  }
0xbc: {  	s3 =	sand.u32 $0x4000, s31;
	s1 =	sadd.s32 s1, s30  }
0xbd: {  	s0 =	sor.u32 s3, s0;
	s1 =	sshll.u32 s1, $0x11  }
0xbe: {  	s0 =	sor.u32 s1, s0  }
0xbf: {  	s0 =	sadd.s32 $0x8F2B, s0  }
0xc0: {  	[sflag:s0] =	ssyncadd.remote.s32 $0x1  }
0xc1: {  	_ =	sfence.sel $0xFFFF  }
0xc2: {  	[dreg:$0x0] =	wrdreg $0xFFFFFFFF;
	(pc) =	sbr.abs _section_cstart, $3  }
0xc3: {  	[dreg:$0x1] =	wrdreg $0xFFFFFFFF  }
0xc4: {  	_ =	task.clear_ibuf [dreg:s9], $0x2FFFF;
	_ =	strace $0x9FFFFFFF  }
0xc5: {  	(tm) =	ssettm $0x7FFFFFFF  }
tec
execute0_lowered:
.L_overlay_start_1:
0x0: {  	(tag) =	ssettag $0x1  }
0x1: {  	s1 =	rddreg [dreg:$0x0]  }
0x2: {  	s0 =	srdreg.scid;
	s5 =	rddreg [dreg:$0x1]  }
0x3: {  	s17 =	stileid.u32;
	s13 =	rddreg [dreg:$0x2]  }
0x4: {  	s3 =	simm.s32 $0x0;
	s18 =	simm.s32 $0x3600;
	s19 =	simm.s32 $0x3480  }
0x5: {  	s20 =	simm.s32 $0x7600;
	s21 =	simm.s32 $0x1;
	s15 =	smul.u32 $0x68000, s17  }
0x6: {  	s22 =	simm.s32 $0x3500;
	s0 =	sand.u32 $0x1, s0;
	s30 =	smul.u32 $0x6800, s17  }
0x7: {  	s2 =	sshll.u32 s17, $0x1;
	[smem:$0x7FF] =	sst s3;
	s16 =	smul.u32 $0x34000, s0  }
0x8: {  	s2 =	sor.u32 s0, s2;
	s6 =	ssub.s32 $0x2, s0;
	s0 =	smul.u32 $0x3400, s0  }
0x9: {  	s17 =	simm.s32 $0x3400;
	_ =	strace $0x80000047;
	s4 =	smul.u32 $0x3400, s2  }
0xa: {  	s7 =	sshrl.u32 s6, $0x1;
	s24 =	smul.u32 $0x34000, s2;
	s15 =	sadd.s32 s15, s13  }
0xb: {  	s2 =	smul.u32 $0x1A0000, s2;
	s14 =	ssub.s32 s6, s7;
	s31 =	sadd.s32 s16, s15  }
0xc: {  	s0 =	sadd.s32 s0, s30;
	s15 =	simm.s32 $0x3;
	s16 =	simm.s32 $0x80  }
0xd: {  	s8 =	sshrl.u32 s4, $0xE;
	s23 =	sshrl.u32 s4, $0x3;
	s11 =	sadd.s32 $0x3300, s4  }
0xe: {  	s12 =	sadd.s32 $0x3380, s4;
	s4 =	sadd.s32 s13, s24;
	s2 =	sshrl.u32 s2, $0x3  }
0xf: {  	[dreg:$0x4] =	wrdreg s31;
	s24 =	simm.s32 $0x3580;
	s25 =	smul.u32 $0x186A0, s8  }
0x10: {  	s26 =	sshrl.u32 s11, $0xE;
	s29 =	sshrl.u32 s12, $0xE;
	s5 =	sadd.s32 s5, s23  }
0x11: {  	s6 =	sadd.s32 $0x800, s4;
	s7 =	sadd.s32 $0x1000, s4;
	s8 =	sadd.s32 $0x1800, s4  }
0x12: {  	s2 =	sadd.s32 s13, s2;
	s11 =	sshll.u32 s11, $0x4;
	s26 =	smul.u32 $0x186A0, s26  }
0x13: {  	s12 =	sshll.u32 s12, $0x4;
	s23 =	simm.s32 $0xB600;
	s28 =	smul.u32 $0x186A0, s29  }
0x14: {  	s9 =	sadd.s32 $0x32000, s2;
	s10 =	sadd.s32 $0x32800, s2;
	s11 =	sadd.s32 s13, s11  }
0x15: {  	s12 =	sadd.s32 s13, s12;
	s13 =	smax.u32 s14, $0x1;
	s14 =	sadd.s32 $0x480, s0  }
0x16: {  	v0 =	vmov s25;
	s25 =	simm.s32 $0xF600;
	v1 =	vmov s26;
	v2 =	vmov s28;
	s26 =	simm.s32 $0x2;
	s28 =	simm.s32 $0x0  }
.LBB2_1:
0x17: {  	[tilespmem:s3], [sflag:$0x3] =	stream.linear.gather [hbm4b:s5+s3], $0x3400, $0x38;
	[tilespmem:$0x13600] =	vst v63  }
0x18: {  	_ =	swait.ge [sflag:s15], $0x3400  }
0x19: {  	[sflag:s15] =	ssyncset.done $0x0  }
0x1a: {  	[sflag:s15] =	ssyncadd.s32 $0xFFFFCC00  }
0x1b: {  	v3 =	vld [tilespmem:$0x0]  }
0x1c: {  	v4 =	vld [tilespmem:$0x10]  }
0x1d: {  	v5 =	vld [tilespmem:$0x20]  }
0x1e: {  	v6 =	vld [tilespmem:$0x30]  }
0x1f: {  	v7 =	vld [tilespmem:$0x40]  }
0x20: {  	v8 =	vld [tilespmem:$0x50];
	v3 =	vadd.s32 v0, v3  }
0x21: {  	v27 =	vld [tilespmem:$0x60];
	[tilespmem:$0x3400] =	vst v3;
	v3 =	vadd.s32 v0, v4  }
0x22: {  	v28 =	vld [tilespmem:$0x70];
	[tilespmem:$0x3410] =	vst v3;
	v3 =	vadd.s32 v0, v5  }
0x23: {  	[tilespmem:$0x3420] =	vst v3;
	v3 =	vadd.s32 v0, v6  }
0x24: {  	[tilespmem:$0x3430] =	vst v3;
	v3 =	vadd.s32 v0, v7  }
0x25: {  	[tilespmem:$0x3440] =	vst v3;
	v3 =	vadd.s32 v0, v8  }
0x26: {  	[tilespmem:$0x3450] =	vst v3;
	v3 =	vadd.s32 v0, v27  }
0x27: {  	[tilespmem:$0x3460] =	vst v3;
	v3 =	vadd.s32 v0, v28  }
0x28: {  	[tilespmem:$0x3470] =	vst v3  }
0x29: {  	[tilespmem:s18], [sflag:$0x1] =	stream.indirect.gather [hbm4b:s1+s16], $0x80, s17, s16, $0xb8;
	[tilespmem:$0x13600] =	vst v63  }
0x2a: {  	v3 =	vld [tilespmem:$0x80]  }
0x2b: {  	v29 =	vld [tilespmem:$0x90]  }
0x2c: {  	v30 =	vld [tilespmem:$0xA0]  }
0x2d: {  	v31 =	vld [tilespmem:$0xB0]  }
0x2e: {  	v32 =	vld [tilespmem:$0xC0]  }
0x2f: {  	v33 =	vld [tilespmem:$0xD0];
	v3 =	vadd.s32 v0, v3  }
0x30: {  	v34 =	vld [tilespmem:$0xE0];
	[tilespmem:$0x3480] =	vst v3;
	v3 =	vadd.s32 v0, v29  }
0x31: {  	v35 =	vld [tilespmem:$0xF0];
	[tilespmem:$0x3490] =	vst v3;
	v3 =	vadd.s32 v0, v30  }
0x32: {  	[tilespmem:$0x34A0] =	vst v3;
	v3 =	vadd.s32 v0, v31  }
0x33: {  	[tilespmem:$0x34B0] =	vst v3;
	v3 =	vadd.s32 v0, v32  }
0x34: {  	[tilespmem:$0x34C0] =	vst v3;
	v3 =	vadd.s32 v0, v33  }
0x35: {  	[tilespmem:$0x34D0] =	vst v3;
	v3 =	vadd.s32 v0, v34  }
0x36: {  	[tilespmem:$0x34E0] =	vst v3;
	v3 =	vadd.s32 v0, v35  }
0x37: {  	[tilespmem:$0x34F0] =	vst v3  }
0x38: {  	[tilespmem:s20], [sflag:$0x1] =	stream.indirect.gather [hbm4b:s1+s16], $0x80, s19, s16, $0xb8;
	[tilespmem:$0x13600] =	vst v63  }
0x39: {  	_ =	swait.ge [sflag:s21], $0x4000  }
0x3a: {  	[sflag:s21] =	ssyncset.done $0x0  }
0x3b: {  	[sflag:s21] =	ssyncadd.s32 $0xFFFFC000  }
0x3c: {  	[hbm4b:s4+s3] =	stream.linear.scatter [tilespmem:s18], [sflag:$0x2], $0x4000, $0x38;
	[tilespmem:$0x13600] =	vst v63  }
0x3d: {  	v3 =	vld [tilespmem:$0x100]  }
0x3e: {  	v36 =	vld [tilespmem:$0x110]  }
0x3f: {  	v37 =	vld [tilespmem:$0x120]  }
0x40: {  	v38 =	vld [tilespmem:$0x130]  }
0x41: {  	v39 =	vld [tilespmem:$0x140]  }
0x42: {  	v40 =	vld [tilespmem:$0x150];
	v3 =	vadd.s32 v0, v3  }
0x43: {  	v41 =	vld [tilespmem:$0x160];
	[tilespmem:$0x3500] =	vst v3;
	v3 =	vadd.s32 v0, v36  }
0x44: {  	v42 =	vld [tilespmem:$0x170];
	[tilespmem:$0x3510] =	vst v3;
	v3 =	vadd.s32 v0, v37  }
0x45: {  	[tilespmem:$0x3520] =	vst v3;
	v3 =	vadd.s32 v0, v38  }
0x46: {  	[tilespmem:$0x3530] =	vst v3;
	v3 =	vadd.s32 v0, v39  }
0x47: {  	[tilespmem:$0x3540] =	vst v3;
	v3 =	vadd.s32 v0, v40  }
0x48: {  	[tilespmem:$0x3550] =	vst v3;
	v3 =	vadd.s32 v0, v41  }
0x49: {  	[tilespmem:$0x3560] =	vst v3;
	v3 =	vadd.s32 v0, v42  }
0x4a: {  	[tilespmem:$0x3570] =	vst v3  }
0x4b: {  	[tilespmem:s23], [sflag:$0x1] =	stream.indirect.gather [hbm4b:s1+s16], $0x80, s22, s16, $0xb8;
	[tilespmem:$0x13600] =	vst v63  }
0x4c: {  	_ =	swait.ge [sflag:s21], $0x4000  }
0x4d: {  	[sflag:s21] =	ssyncset.done $0x0  }
0x4e: {  	[sflag:s21] =	ssyncadd.s32 $0xFFFFC000  }
0x4f: {  	[hbm4b:s6+s3] =	stream.linear.scatter [tilespmem:s20], [sflag:$0x2], $0x4000, $0x38;
	[tilespmem:$0x13600] =	vst v63  }
0x50: {  	v3 =	vld [tilespmem:$0x180]  }
0x51: {  	v43 =	vld [tilespmem:$0x190]  }
0x52: {  	v44 =	vld [tilespmem:$0x1A0]  }
0x53: {  	v45 =	vld [tilespmem:$0x1B0]  }
0x54: {  	v46 =	vld [tilespmem:$0x1C0]  }
0x55: {  	v47 =	vld [tilespmem:$0x1D0];
	v3 =	vadd.s32 v0, v3  }
0x56: {  	v48 =	vld [tilespmem:$0x1E0];
	[tilespmem:$0x3580] =	vst v3;
	v3 =	vadd.s32 v0, v43  }
0x57: {  	v49 =	vld [tilespmem:$0x1F0];
	[tilespmem:$0x3590] =	vst v3;
	v3 =	vadd.s32 v0, v44  }
0x58: {  	[tilespmem:$0x35A0] =	vst v3;
	v3 =	vadd.s32 v0, v45  }
0x59: {  	[tilespmem:$0x35B0] =	vst v3;
	v3 =	vadd.s32 v0, v46  }
0x5a: {  	[tilespmem:$0x35C0] =	vst v3;
	v3 =	vadd.s32 v0, v47  }
0x5b: {  	[tilespmem:$0x35D0] =	vst v3;
	v3 =	vadd.s32 v0, v48  }
0x5c: {  	[tilespmem:$0x35E0] =	vst v3;
	v3 =	vadd.s32 v0, v49  }
0x5d: {  	[tilespmem:$0x35F0] =	vst v3  }
0x5e: {  	[tilespmem:s25], [sflag:$0x1] =	stream.indirect.gather [hbm4b:s1+s16], $0x80, s24, s16, $0xb8;
	[tilespmem:$0x13600] =	vst v63  }
0x5f: {  	_ =	swait.ge [sflag:s21], $0x4000  }
0x60: {  	[sflag:s21] =	ssyncset.done $0x0  }
0x61: {  	[sflag:s21] =	ssyncadd.s32 $0xFFFFC000  }
0x62: {  	[hbm4b:s7+s3] =	stream.linear.scatter [tilespmem:s23], [sflag:$0x2], $0x4000, $0x38;
	[tilespmem:$0x13600] =	vst v63  }
0x63: {  	_ =	swait.ge [sflag:s26], $0x4000  }
0x64: {  	[sflag:s26] =	ssyncset.done $0x0  }
0x65: {  	[sflag:s26] =	ssyncadd.s32 $0xFFFFC000  }
0x66: {  	v3 =	vld [tilespmem:$0x200]  }
0x67: {  	v50 =	vld [tilespmem:$0x210]  }
0x68: {  	v51 =	vld [tilespmem:$0x220]  }
0x69: {  	v52 =	vld [tilespmem:$0x230]  }
0x6a: {  	v53 =	vld [tilespmem:$0x240]  }
0x6b: {  	v54 =	vld [tilespmem:$0x250];
	v3 =	vadd.s32 v0, v3  }
0x6c: {  	v55 =	vld [tilespmem:$0x260];
	[tilespmem:$0x3400] =	vst v3;
	v3 =	vadd.s32 v0, v50  }
0x6d: {  	v56 =	vld [tilespmem:$0x270];
	[tilespmem:$0x3410] =	vst v3;
	v3 =	vadd.s32 v0, v51  }
0x6e: {  	[tilespmem:$0x3420] =	vst v3;
	v3 =	vadd.s32 v0, v52  }
0x6f: {  	[tilespmem:$0x3430] =	vst v3;
	v3 =	vadd.s32 v0, v53  }
0x70: {  	[tilespmem:$0x3440] =	vst v3;
	v3 =	vadd.s32 v0, v54  }
0x71: {  	[tilespmem:$0x3450] =	vst v3;
	v3 =	vadd.s32 v0, v55  }
0x72: {  	[tilespmem:$0x3460] =	vst v3;
	v3 =	vadd.s32 v0, v56  }
0x73: {  	[tilespmem:$0x3470] =	vst v3  }
0x74: {  	[tilespmem:s18], [sflag:$0x1] =	stream.indirect.gather [hbm4b:s1+s16], $0x80, s17, s16, $0xb8;
	[tilespmem:$0x13600] =	vst v63  }
0x75: {  	_ =	swait.ge [sflag:s21], $0x4000  }
0x76: {  	[sflag:s21] =	ssyncset.done $0x0  }
0x77: {  	[sflag:s21] =	ssyncadd.s32 $0xFFFFC000  }
0x78: {  	[hbm4b:s8+s3] =	stream.linear.scatter [tilespmem:s25], [sflag:$0x2], $0x4000, $0x38;
	[tilespmem:$0x13600] =	vst v63  }
0x79: {  	_ =	swait.ge [sflag:s26], $0x4000  }
0x7a: {  	[sflag:s26] =	ssyncset.done $0x0  }
0x7b: {  	[sflag:s26] =	ssyncadd.s32 $0xFFFFC000  }
0x7c: {  	v3 =	vld [tilespmem:$0x280]  }
0x7d: {  	v57 =	vld [tilespmem:$0x290]  }
0x7e: {  	v58 =	vld [tilespmem:$0x2A0]  }
0x7f: {  	v59 =	vld [tilespmem:$0x2B0]  }
0x80: {  	v60 =	vld [tilespmem:$0x2C0]  }
0x81: {  	v61 =	vld [tilespmem:$0x2D0];
	v3 =	vadd.s32 v0, v3  }
0x82: {  	v62 =	vld [tilespmem:$0x2E0];
	[tilespmem:$0x3480] =	vst v3;
	v3 =	vadd.s32 v0, v57  }
0x83: {  	v63 =	vld [tilespmem:$0x2F0];
	[tilespmem:$0x3490] =	vst v3;
	v3 =	vadd.s32 v0, v58  }
0x84: {  	[tilespmem:$0x34A0] =	vst v3;
	v3 =	vadd.s32 v0, v59  }
0x85: {  	[tilespmem:$0x34B0] =	vst v3;
	v3 =	vadd.s32 v0, v60  }
0x86: {  	[tilespmem:$0x34C0] =	vst v3;
	v3 =	vadd.s32 v0, v61  }
0x87: {  	[tilespmem:$0x34D0] =	vst v3;
	v3 =	vadd.s32 v0, v62  }
0x88: {  	[tilespmem:$0x34E0] =	vst v3;
	v3 =	vadd.s32 v0, v63  }
0x89: {  	[tilespmem:$0x34F0] =	vst v3  }
0x8a: {  	[tilespmem:s20], [sflag:$0x1] =	stream.indirect.gather [hbm4b:s1+s16], $0x80, s19, s16, $0xb8;
	[tilespmem:$0x13600] =	vst v63  }
0x8b: {  	_ =	swait.ge [sflag:s21], $0x4000  }
0x8c: {  	s0 =	rddreg [dreg:$0x4]  }
0x8d: {  	[sflag:s21] =	ssyncset.done $0x0;
	s29 =	sadd.s32 $0x0, s0  }
0x8e: {  	[sflag:s21] =	ssyncadd.s32 $0xFFFFC000;
	s0 =	sadd.s32 $0x2000, s29  }
0x8f: {  	[hbm4b:s0+s3] =	stream.linear.scatter [tilespmem:s18], [sflag:$0x2], $0x4000, $0x38;
	[tilespmem:$0x13600] =	vst v63  }
0x90: {  	_ =	swait.ge [sflag:s26], $0x4000  }
0x91: {  	[sflag:s26] =	ssyncset.done $0x0  }
0x92: {  	s2 =	simm.s32 $0x4F0;
	[sflag:s26] =	ssyncadd.s32 $0xFFFFC000  }
0x93: {  	v3 =	vld [tilespmem:s2+$0xFFFFFE10]  }
0x94: {  	s0 =	sadd.s32 $0xFFFFFE80, s14  }
0x95: {  	s0 =	sshrl.u32 s0, $0xE  }
0x96: {  	s0 =	smul.u32 $0x186A0, s0;
	_ =	sdelay $0x1  }
0x97: {  	v3 =	vadd.s32 s0, v3  }
0x98: {  	[tilespmem:$0x3500] =	vst v3  }
0x99: {  	v3 =	vld [tilespmem:s2+$0xFFFFFE20];
	_ =	sdelay $0x4  }
0x9a: {  	v3 =	vadd.s32 s0, v3  }
0x9b: {  	[tilespmem:$0x3510] =	vst v3  }
0x9c: {  	v3 =	vld [tilespmem:s2+$0xFFFFFE30];
	_ =	sdelay $0x4  }
0x9d: {  	v3 =	vadd.s32 s0, v3  }
0x9e: {  	[tilespmem:$0x3520] =	vst v3  }
0x9f: {  	v3 =	vld [tilespmem:s2+$0xFFFFFE40];
	_ =	sdelay $0x4  }
0xa0: {  	v3 =	vadd.s32 s0, v3  }
0xa1: {  	[tilespmem:$0x3530] =	vst v3  }
0xa2: {  	v3 =	vld [tilespmem:s2+$0xFFFFFE50];
	_ =	sdelay $0x4  }
0xa3: {  	v3 =	vadd.s32 s0, v3  }
0xa4: {  	[tilespmem:$0x3540] =	vst v3  }
0xa5: {  	v3 =	vld [tilespmem:s2+$0xFFFFFE60];
	_ =	sdelay $0x4  }
0xa6: {  	v3 =	vadd.s32 s0, v3  }
0xa7: {  	[tilespmem:$0x3550] =	vst v3  }
0xa8: {  	v3 =	vld [tilespmem:s2+$0xFFFFFE70];
	_ =	sdelay $0x4  }
0xa9: {  	v3 =	vadd.s32 s0, v3  }
0xaa: {  	[tilespmem:$0x3560] =	vst v3  }
0xab: {  	v3 =	vld [tilespmem:s2+$0xFFFFFE80];
	_ =	sdelay $0x4  }
0xac: {  	v3 =	vadd.s32 s0, v3  }
0xad: {  	[tilespmem:$0x3570] =	vst v3  }
0xae: {  	[tilespmem:s23], [sflag:$0x1] =	stream.indirect.gather [hbm4b:s1+s16], $0x80, s22, s16, $0xb8;
	[tilespmem:$0x13600] =	vst v63  }
0xaf: {  	_ =	swait.ge [sflag:s21], $0x4000  }
0xb0: {  	[sflag:s21] =	ssyncset.done $0x0  }
0xb1: {  	s0 =	sadd.s32 $0x2800, s29;
	[sflag:s21] =	ssyncadd.s32 $0xFFFFC000  }
0xb2: {  	[hbm4b:s0+s3] =	stream.linear.scatter [tilespmem:s20], [sflag:$0x2], $0x4000, $0x38;
	[tilespmem:$0x13600] =	vst v63  }
0xb3: {  	_ =	swait.ge [sflag:s26], $0x4000  }
0xb4: {  	[sflag:s26] =	ssyncset.done $0x0  }
0xb5: {  	[sflag:s26] =	ssyncadd.s32 $0xFFFFC000  }
0xb6: {  	v3 =	vld [tilespmem:s2+$0xFFFFFE90]  }
0xb7: {  	s0 =	sadd.s32 $0xFFFFFF00, s14  }
0xb8: {  	s0 =	sshrl.u32 s0, $0xE  }
0xb9: {  	s0 =	smul.u32 $0x186A0, s0;
	_ =	sdelay $0x1  }
0xba: {  	v3 =	vadd.s32 s0, v3  }
0xbb: {  	[tilespmem:$0x3580] =	vst v3  }
0xbc: {  	v3 =	vld [tilespmem:s2+$0xFFFFFEA0];
	_ =	sdelay $0x4  }
0xbd: {  	v3 =	vadd.s32 s0, v3  }
0xbe: {  	[tilespmem:$0x3590] =	vst v3  }
0xbf: {  	v3 =	vld [tilespmem:s2+$0xFFFFFEB0];
	_ =	sdelay $0x4  }
0xc0: {  	v3 =	vadd.s32 s0, v3  }
0xc1: {  	[tilespmem:$0x35A0] =	vst v3  }
0xc2: {  	v3 =	vld [tilespmem:s2+$0xFFFFFEC0];
	_ =	sdelay $0x4  }
0xc3: {  	v3 =	vadd.s32 s0, v3  }
0xc4: {  	[tilespmem:$0x35B0] =	vst v3  }
0xc5: {  	v3 =	vld [tilespmem:s2+$0xFFFFFED0];
	_ =	sdelay $0x4  }
0xc6: {  	v3 =	vadd.s32 s0, v3  }
0xc7: {  	[tilespmem:$0x35C0] =	vst v3  }
0xc8: {  	v3 =	vld [tilespmem:s2+$0xFFFFFEE0];
	_ =	sdelay $0x4  }
0xc9: {  	v3 =	vadd.s32 s0, v3  }
0xca: {  	[tilespmem:$0x35D0] =	vst v3  }
0xcb: {  	v3 =	vld [tilespmem:s2+$0xFFFFFEF0];
	_ =	sdelay $0x4  }
0xcc: {  	v3 =	vadd.s32 s0, v3  }
0xcd: {  	[tilespmem:$0x35E0] =	vst v3  }
0xce: {  	v3 =	vld [tilespmem:s2+$0xFFFFFF00];
	_ =	sdelay $0x4  }
0xcf: {  	v3 =	vadd.s32 s0, v3  }
0xd0: {  	[tilespmem:$0x35F0] =	vst v3  }
0xd1: {  	[tilespmem:s25], [sflag:$0x1] =	stream.indirect.gather [hbm4b:s1+s16], $0x80, s24, s16, $0xb8;
	[tilespmem:$0x13600] =	vst v63  }
0xd2: {  	_ =	swait.ge [sflag:s21], $0x4000  }
0xd3: {  	[sflag:s21] =	ssyncset.done $0x0  }
0xd4: {  	s0 =	sadd.s32 $0x3000, s29;
	[sflag:s21] =	ssyncadd.s32 $0xFFFFC000  }
0xd5: {  	[hbm4b:s0+s3] =	stream.linear.scatter [tilespmem:s23], [sflag:$0x2], $0x4000, $0x38;
	[tilespmem:$0x13600] =	vst v63  }
0xd6: {  	_ =	swait.ge [sflag:s26], $0x4000  }
0xd7: {  	[sflag:s26] =	ssyncset.done $0x0  }
0xd8: {  	[sflag:s26] =	ssyncadd.s32 $0xFFFFC000  }
0xd9: {  	v3 =	vld [tilespmem:s2+$0xFFFFFF10]  }
0xda: {  	s0 =	sadd.s32 $0xFFFFFF80, s14  }
0xdb: {  	s0 =	sshrl.u32 s0, $0xE  }
0xdc: {  	s0 =	smul.u32 $0x186A0, s0;
	_ =	sdelay $0x1  }
0xdd: {  	v3 =	vadd.s32 s0, v3  }
0xde: {  	[tilespmem:$0x3400] =	vst v3  }
0xdf: {  	v3 =	vld [tilespmem:s2+$0xFFFFFF20];
	_ =	sdelay $0x4  }
0xe0: {  	v3 =	vadd.s32 s0, v3  }
0xe1: {  	[tilespmem:$0x3410] =	vst v3  }
0xe2: {  	v3 =	vld [tilespmem:s2+$0xFFFFFF30];
	_ =	sdelay $0x4  }
0xe3: {  	v3 =	vadd.s32 s0, v3  }
0xe4: {  	[tilespmem:$0x3420] =	vst v3  }
0xe5: {  	v3 =	vld [tilespmem:s2+$0xFFFFFF40];
	_ =	sdelay $0x4  }
0xe6: {  	v3 =	vadd.s32 s0, v3  }
0xe7: {  	[tilespmem:$0x3430] =	vst v3  }
0xe8: {  	v3 =	vld [tilespmem:s2+$0xFFFFFF50];
	_ =	sdelay $0x4  }
0xe9: {  	v3 =	vadd.s32 s0, v3  }
0xea: {  	[tilespmem:$0x3440] =	vst v3  }
0xeb: {  	v3 =	vld [tilespmem:s2+$0xFFFFFF60];
	_ =	sdelay $0x4  }
0xec: {  	v3 =	vadd.s32 s0, v3  }
0xed: {  	[tilespmem:$0x3450] =	vst v3  }
0xee: {  	v3 =	vld [tilespmem:s2+$0xFFFFFF70];
	_ =	sdelay $0x4  }
0xef: {  	v3 =	vadd.s32 s0, v3  }
0xf0: {  	[tilespmem:$0x3460] =	vst v3  }
0xf1: {  	v3 =	vld [tilespmem:s2+$0xFFFFFF80];
	_ =	sdelay $0x4  }
0xf2: {  	v3 =	vadd.s32 s0, v3  }
0xf3: {  	[tilespmem:$0x3470] =	vst v3  }
0xf4: {  	[tilespmem:s18], [sflag:$0x1] =	stream.indirect.gather [hbm4b:s1+s16], $0x80, s17, s16, $0xb8;
	[tilespmem:$0x13600] =	vst v63  }
0xf5: {  	_ =	swait.ge [sflag:s21], $0x4000  }
0xf6: {  	[sflag:s21] =	ssyncset.done $0x0  }
0xf7: {  	s0 =	sadd.s32 $0x3800, s29;
	[sflag:s21] =	ssyncadd.s32 $0xFFFFC000  }
0xf8: {  	[hbm4b:s0+s3] =	stream.linear.scatter [tilespmem:s25], [sflag:$0x2], $0x4000, $0x38;
	[tilespmem:$0x13600] =	vst v63  }
0xf9: {  	_ =	swait.ge [sflag:s26], $0x4000  }
0xfa: {  	[sflag:s26] =	ssyncset.done $0x0  }
0xfb: {  	[sflag:s26] =	ssyncadd.s32 $0xFFFFC000  }
0xfc: {  	v3 =	vld [tilespmem:s2+$0xFFFFFF90];
	_ =	sdelay $0x1  }
0xfd: {  	s0 =	sshrl.u32 s14, $0xE  }
0xfe: {  	s0 =	smul.u32 $0x186A0, s0;
	_ =	sdelay $0x1  }
0xff: {  	v3 =	vadd.s32 s0, v3  }
0x100: {  	[tilespmem:$0x3480] =	vst v3  }
0x101: {  	v3 =	vld [tilespmem:s2+$0xFFFFFFA0];
	_ =	sdelay $0x4  }
0x102: {  	v3 =	vadd.s32 s0, v3  }
0x103: {  	[tilespmem:$0x3490] =	vst v3  }
0x104: {  	v3 =	vld [tilespmem:s2+$0xFFFFFFB0];
	_ =	sdelay $0x4  }
0x105: {  	v3 =	vadd.s32 s0, v3  }
0x106: {  	[tilespmem:$0x34A0] =	vst v3  }
0x107: {  	v3 =	vld [tilespmem:s2+$0xFFFFFFC0];
	_ =	sdelay $0x4  }
0x108: {  	v3 =	vadd.s32 s0, v3  }
0x109: {  	[tilespmem:$0x34B0] =	vst v3  }
0x10a: {  	v3 =	vld [tilespmem:s2+$0xFFFFFFD0];
	_ =	sdelay $0x4  }
0x10b: {  	v3 =	vadd.s32 s0, v3  }
0x10c: {  	[tilespmem:$0x34C0] =	vst v3  }
0x10d: {  	v3 =	vld [tilespmem:s2+$0xFFFFFFE0];
	_ =	sdelay $0x4  }
0x10e: {  	v3 =	vadd.s32 s0, v3  }
0x10f: {  	[tilespmem:$0x34D0] =	vst v3  }
0x110: {  	v3 =	vld [tilespmem:s2+$0xFFFFFFF0];
	_ =	sdelay $0x4  }
0x111: {  	v3 =	vadd.s32 s0, v3  }
0x112: {  	[tilespmem:$0x34E0] =	vst v3  }
0x113: {  	v3 =	vld [tilespmem:s2+$0x0];
	_ =	sdelay $0x4  }
0x114: {  	v3 =	vadd.s32 s0, v3  }
0x115: {  	s30 =	sadd.s32 $0x200, s14;
	s31 =	simm.s32 $0x6F0;
	s29 =	simm.s32 $0x2000;
	[tilespmem:$0x34F0] =	vst v3  }
.LBB2_2:
0x116: {  	[tilespmem:s20], [sflag:$0x1] =	stream.indirect.gather [hbm4b:s1+s16], $0x80, s19, s16, $0xb8;
	[tilespmem:$0x13600] =	vst v63  }
0x117: {  	_ =	swait.ge [sflag:s21], $0x4000  }
0x118: {  	s0 =	smov.u32 s29;
	s2 =	rddreg [dreg:$0x4]  }
0x119: {  	[sflag:s21] =	ssyncset.done $0x0;
	s2 =	sadd.s32 s0, s2  }
0x11a: {  	[sflag:s21] =	ssyncadd.s32 $0xFFFFC000;
	s0 =	sadd.s32 $0x2000, s2  }
0x11b: {  	[hbm4b:s0+s3] =	stream.linear.scatter [tilespmem:s18], [sflag:$0x2], $0x4000, $0x38;
	[tilespmem:$0x13600] =	vst v63  }
0x11c: {  	_ =	swait.ge [sflag:s26], $0x4000  }
0x11d: {  	[sflag:s26] =	ssyncset.done $0x0  }
0x11e: {  	[sflag:s26] =	ssyncadd.s32 $0xFFFFC000  }
0x11f: {  	v3 =	vld [tilespmem:s31+$0xFFFFFE10]  }
0x120: {  	s0 =	sadd.s32 $0xFFFFFE80, s30  }
0x121: {  	s0 =	sshrl.u32 s0, $0xE  }
0x122: {  	s0 =	smul.u32 $0x186A0, s0;
	_ =	sdelay $0x1  }
0x123: {  	v3 =	vadd.s32 s0, v3  }
0x124: {  	[tilespmem:$0x3500] =	vst v3  }
0x125: {  	v3 =	vld [tilespmem:s31+$0xFFFFFE20];
	_ =	sdelay $0x4  }
0x126: {  	v3 =	vadd.s32 s0, v3  }
0x127: {  	[tilespmem:$0x3510] =	vst v3  }
0x128: {  	v3 =	vld [tilespmem:s31+$0xFFFFFE30];
	_ =	sdelay $0x4  }
0x129: {  	v3 =	vadd.s32 s0, v3  }
0x12a: {  	[tilespmem:$0x3520] =	vst v3  }
0x12b: {  	v3 =	vld [tilespmem:s31+$0xFFFFFE40];
	_ =	sdelay $0x4  }
0x12c: {  	v3 =	vadd.s32 s0, v3  }
0x12d: {  	[tilespmem:$0x3530] =	vst v3  }
0x12e: {  	v3 =	vld [tilespmem:s31+$0xFFFFFE50];
	_ =	sdelay $0x4  }
0x12f: {  	v3 =	vadd.s32 s0, v3  }
0x130: {  	[tilespmem:$0x3540] =	vst v3  }
0x131: {  	v3 =	vld [tilespmem:s31+$0xFFFFFE60];
	_ =	sdelay $0x4  }
0x132: {  	v3 =	vadd.s32 s0, v3  }
0x133: {  	[tilespmem:$0x3550] =	vst v3  }
0x134: {  	v3 =	vld [tilespmem:s31+$0xFFFFFE70];
	_ =	sdelay $0x4  }
0x135: {  	v3 =	vadd.s32 s0, v3  }
0x136: {  	[tilespmem:$0x3560] =	vst v3  }
0x137: {  	v3 =	vld [tilespmem:s31+$0xFFFFFE80];
	_ =	sdelay $0x4  }
0x138: {  	v3 =	vadd.s32 s0, v3  }
0x139: {  	[tilespmem:$0x3570] =	vst v3  }
0x13a: {  	[tilespmem:s23], [sflag:$0x1] =	stream.indirect.gather [hbm4b:s1+s16], $0x80, s22, s16, $0xb8;
	[tilespmem:$0x13600] =	vst v63  }
0x13b: {  	_ =	swait.ge [sflag:s21], $0x4000  }
0x13c: {  	[sflag:s21] =	ssyncset.done $0x0  }
0x13d: {  	s0 =	sadd.s32 $0x2800, s2;
	[sflag:s21] =	ssyncadd.s32 $0xFFFFC000  }
0x13e: {  	[hbm4b:s0+s3] =	stream.linear.scatter [tilespmem:s20], [sflag:$0x2], $0x4000, $0x38;
	[tilespmem:$0x13600] =	vst v63  }
0x13f: {  	_ =	swait.ge [sflag:s26], $0x4000  }
0x140: {  	[sflag:s26] =	ssyncset.done $0x0  }
0x141: {  	[sflag:s26] =	ssyncadd.s32 $0xFFFFC000  }
0x142: {  	v3 =	vld [tilespmem:s31+$0xFFFFFE90]  }
0x143: {  	s0 =	sadd.s32 $0xFFFFFF00, s30  }
0x144: {  	s0 =	sshrl.u32 s0, $0xE  }
0x145: {  	s0 =	smul.u32 $0x186A0, s0;
	_ =	sdelay $0x1  }
0x146: {  	v3 =	vadd.s32 s0, v3  }
0x147: {  	[tilespmem:$0x3580] =	vst v3  }
0x148: {  	v3 =	vld [tilespmem:s31+$0xFFFFFEA0];
	_ =	sdelay $0x4  }
0x149: {  	v3 =	vadd.s32 s0, v3  }
0x14a: {  	[tilespmem:$0x3590] =	vst v3  }
0x14b: {  	v3 =	vld [tilespmem:s31+$0xFFFFFEB0];
	_ =	sdelay $0x4  }
0x14c: {  	v3 =	vadd.s32 s0, v3  }
0x14d: {  	[tilespmem:$0x35A0] =	vst v3  }
0x14e: {  	v3 =	vld [tilespmem:s31+$0xFFFFFEC0];
	_ =	sdelay $0x4  }
0x14f: {  	v3 =	vadd.s32 s0, v3  }
0x150: {  	[tilespmem:$0x35B0] =	vst v3  }
0x151: {  	v3 =	vld [tilespmem:s31+$0xFFFFFED0];
	_ =	sdelay $0x4  }
0x152: {  	v3 =	vadd.s32 s0, v3  }
0x153: {  	[tilespmem:$0x35C0] =	vst v3  }
0x154: {  	v3 =	vld [tilespmem:s31+$0xFFFFFEE0];
	_ =	sdelay $0x4  }
0x155: {  	v3 =	vadd.s32 s0, v3  }
0x156: {  	[tilespmem:$0x35D0] =	vst v3  }
0x157: {  	v3 =	vld [tilespmem:s31+$0xFFFFFEF0];
	_ =	sdelay $0x4  }
0x158: {  	v3 =	vadd.s32 s0, v3  }
0x159: {  	[tilespmem:$0x35E0] =	vst v3  }
0x15a: {  	v3 =	vld [tilespmem:s31+$0xFFFFFF00];
	_ =	sdelay $0x4  }
0x15b: {  	v3 =	vadd.s32 s0, v3  }
0x15c: {  	[tilespmem:$0x35F0] =	vst v3  }
0x15d: {  	[tilespmem:s25], [sflag:$0x1] =	stream.indirect.gather [hbm4b:s1+s16], $0x80, s24, s16, $0xb8;
	[tilespmem:$0x13600] =	vst v63  }
0x15e: {  	_ =	swait.ge [sflag:s21], $0x4000  }
0x15f: {  	[sflag:s21] =	ssyncset.done $0x0  }
0x160: {  	s0 =	sadd.s32 $0x3000, s2;
	[sflag:s21] =	ssyncadd.s32 $0xFFFFC000  }
0x161: {  	[hbm4b:s0+s3] =	stream.linear.scatter [tilespmem:s23], [sflag:$0x2], $0x4000, $0x38;
	[tilespmem:$0x13600] =	vst v63  }
0x162: {  	_ =	swait.ge [sflag:s26], $0x4000  }
0x163: {  	[sflag:s26] =	ssyncset.done $0x0  }
0x164: {  	[sflag:s26] =	ssyncadd.s32 $0xFFFFC000  }
0x165: {  	v3 =	vld [tilespmem:s31+$0xFFFFFF10]  }
0x166: {  	s0 =	sadd.s32 $0xFFFFFF80, s30  }
0x167: {  	s0 =	sshrl.u32 s0, $0xE  }
0x168: {  	s0 =	smul.u32 $0x186A0, s0;
	_ =	sdelay $0x1  }
0x169: {  	v3 =	vadd.s32 s0, v3  }
0x16a: {  	[tilespmem:$0x3400] =	vst v3  }
0x16b: {  	v3 =	vld [tilespmem:s31+$0xFFFFFF20];
	_ =	sdelay $0x4  }
0x16c: {  	v3 =	vadd.s32 s0, v3  }
0x16d: {  	[tilespmem:$0x3410] =	vst v3  }
0x16e: {  	v3 =	vld [tilespmem:s31+$0xFFFFFF30];
	_ =	sdelay $0x4  }
0x16f: {  	v3 =	vadd.s32 s0, v3  }
0x170: {  	[tilespmem:$0x3420] =	vst v3  }
0x171: {  	v3 =	vld [tilespmem:s31+$0xFFFFFF40];
	_ =	sdelay $0x4  }
0x172: {  	v3 =	vadd.s32 s0, v3  }
0x173: {  	[tilespmem:$0x3430] =	vst v3  }
0x174: {  	v3 =	vld [tilespmem:s31+$0xFFFFFF50];
	_ =	sdelay $0x4  }
0x175: {  	v3 =	vadd.s32 s0, v3  }
0x176: {  	[tilespmem:$0x3440] =	vst v3  }
0x177: {  	v3 =	vld [tilespmem:s31+$0xFFFFFF60];
	_ =	sdelay $0x4  }
0x178: {  	v3 =	vadd.s32 s0, v3  }
0x179: {  	[tilespmem:$0x3450] =	vst v3  }
0x17a: {  	v3 =	vld [tilespmem:s31+$0xFFFFFF70];
	_ =	sdelay $0x4  }
0x17b: {  	v3 =	vadd.s32 s0, v3  }
0x17c: {  	[tilespmem:$0x3460] =	vst v3  }
0x17d: {  	v3 =	vld [tilespmem:s31+$0xFFFFFF80];
	_ =	sdelay $0x4  }
0x17e: {  	v3 =	vadd.s32 s0, v3  }
0x17f: {  	[tilespmem:$0x3470] =	vst v3  }
0x180: {  	[tilespmem:s18], [sflag:$0x1] =	stream.indirect.gather [hbm4b:s1+s16], $0x80, s17, s16, $0xb8;
	[tilespmem:$0x13600] =	vst v63  }
0x181: {  	_ =	swait.ge [sflag:s21], $0x4000  }
0x182: {  	[sflag:s21] =	ssyncset.done $0x0  }
0x183: {  	s2 =	sadd.s32 $0x3800, s2;
	[sflag:s21] =	ssyncadd.s32 $0xFFFFC000  }
0x184: {  	[hbm4b:s2+s3] =	stream.linear.scatter [tilespmem:s25], [sflag:$0x2], $0x4000, $0x38;
	[tilespmem:$0x13600] =	vst v63  }
0x185: {  	_ =	swait.ge [sflag:s26], $0x4000  }
0x186: {  	[sflag:s26] =	ssyncset.done $0x0  }
0x187: {  	[sflag:s26] =	ssyncadd.s32 $0xFFFFC000  }
0x188: {  	v3 =	vld [tilespmem:s31+$0xFFFFFF90];
	_ =	sdelay $0x1  }
0x189: {  	s2 =	sshrl.u32 s30, $0xE  }
0x18a: {  	s0 =	smul.u32 $0x186A0, s2;
	_ =	sdelay $0x1  }
0x18b: {  	v3 =	vadd.s32 s0, v3  }
0x18c: {  	[tilespmem:$0x3480] =	vst v3  }
0x18d: {  	v3 =	vld [tilespmem:s31+$0xFFFFFFA0];
	_ =	sdelay $0x4  }
0x18e: {  	v3 =	vadd.s32 s0, v3  }
0x18f: {  	[tilespmem:$0x3490] =	vst v3  }
0x190: {  	v3 =	vld [tilespmem:s31+$0xFFFFFFB0];
	_ =	sdelay $0x4  }
0x191: {  	v3 =	vadd.s32 s0, v3  }
0x192: {  	[tilespmem:$0x34A0] =	vst v3  }
0x193: {  	v3 =	vld [tilespmem:s31+$0xFFFFFFC0];
	_ =	sdelay $0x4  }
0x194: {  	v3 =	vadd.s32 s0, v3  }
0x195: {  	[tilespmem:$0x34B0] =	vst v3  }
0x196: {  	v3 =	vld [tilespmem:s31+$0xFFFFFFD0];
	_ =	sdelay $0x4  }
0x197: {  	v3 =	vadd.s32 s0, v3  }
0x198: {  	[tilespmem:$0x34C0] =	vst v3  }
0x199: {  	v3 =	vld [tilespmem:s31+$0xFFFFFFE0];
	_ =	sdelay $0x4  }
0x19a: {  	v3 =	vadd.s32 s0, v3  }
0x19b: {  	[tilespmem:$0x34D0] =	vst v3  }
0x19c: {  	v3 =	vld [tilespmem:s31+$0xFFFFFFF0];
	_ =	sdelay $0x4  }
0x19d: {  	v3 =	vadd.s32 s0, v3  }
0x19e: {  	[tilespmem:$0x34E0] =	vst v3  }
0x19f: {  	v3 =	vld [tilespmem:s31+$0x0]  }
0x1a0: {  	p0 =	sne.s32 s29, $0x2E000  }
.Ltmp0:
0x1a1: {  	_ = 	snop;
	(pc) =	sbr.rel @p0 .LBB2_2-.Ltmp0, $3  }
0x1a2: {  	_ =	sdelay $0x1  }
0x1a3: {  	v3 =	vadd.s32 s0, v3  }
0x1a4: {  	s29 =	sadd.s32 $0x2000, s29;
	s30 =	sadd.s32 $0x200, s30;
	s31 =	sadd.s32 $0x200, s31;
	[tilespmem:$0x34F0] =	vst v3  }
0x1a5: {  	[tilespmem:s20], [sflag:$0x1] =	stream.indirect.gather [hbm4b:s1+s16], $0x80, s19, s16, $0xb8;
	[tilespmem:$0x13600] =	vst v63  }
0x1a6: {  	_ =	swait.ge [sflag:s21], $0x4000  }
0x1a7: {  	[sflag:s21] =	ssyncset.done $0x0  }
0x1a8: {  	[sflag:s21] =	ssyncadd.s32 $0xFFFFC000  }
0x1a9: {  	[hbm4b:s9+s3] =	stream.linear.scatter [tilespmem:s18], [sflag:$0x2], $0x4000, $0x38;
	[tilespmem:$0x13600] =	vst v63  }
0x1aa: {  	_ =	swait.ge [sflag:s26], $0x4000  }
0x1ab: {  	[sflag:s26] =	ssyncset.done $0x0  }
0x1ac: {  	[sflag:s26] =	ssyncadd.s32 $0xFFFFC000  }
0x1ad: {  	v3 =	vld [tilespmem:$0x3300]  }
0x1ae: {  	v4 =	vld [tilespmem:$0x3310]  }
0x1af: {  	v5 =	vld [tilespmem:$0x3320]  }
0x1b0: {  	v6 =	vld [tilespmem:$0x3330]  }
0x1b1: {  	v7 =	vld [tilespmem:$0x3340]  }
0x1b2: {  	v8 =	vld [tilespmem:$0x3350];
	v3 =	vadd.s32 v1, v3  }
0x1b3: {  	v55 =	vld [tilespmem:$0x3360];
	[tilespmem:$0x3500] =	vst v3;
	v3 =	vadd.s32 v1, v4  }
0x1b4: {  	v56 =	vld [tilespmem:$0x3370];
	[tilespmem:$0x3510] =	vst v3;
	v3 =	vadd.s32 v1, v5  }
0x1b5: {  	[tilespmem:$0x3520] =	vst v3;
	v3 =	vadd.s32 v1, v6  }
0x1b6: {  	[tilespmem:$0x3530] =	vst v3;
	v3 =	vadd.s32 v1, v7  }
0x1b7: {  	[tilespmem:$0x3540] =	vst v3;
	v3 =	vadd.s32 v1, v8  }
0x1b8: {  	[tilespmem:$0x3550] =	vst v3;
	v3 =	vadd.s32 v1, v55  }
0x1b9: {  	[tilespmem:$0x3560] =	vst v3;
	v3 =	vadd.s32 v1, v56  }
0x1ba: {  	[tilespmem:$0x3570] =	vst v3  }
0x1bb: {  	[tilespmem:s23], [sflag:$0x1] =	stream.indirect.gather [hbm4b:s1+s16], $0x80, s22, s16, $0xb8;
	[tilespmem:$0x13600] =	vst v63  }
0x1bc: {  	_ =	swait.ge [sflag:s21], $0x4000  }
0x1bd: {  	[sflag:s21] =	ssyncset.done $0x0  }
0x1be: {  	[sflag:s21] =	ssyncadd.s32 $0xFFFFC000  }
0x1bf: {  	[hbm4b:s10+s3] =	stream.linear.scatter [tilespmem:s20], [sflag:$0x2], $0x4000, $0x38;
	[tilespmem:$0x13600] =	vst v63  }
0x1c0: {  	_ =	swait.ge [sflag:s26], $0x4000  }
0x1c1: {  	[sflag:s26] =	ssyncset.done $0x0  }
0x1c2: {  	[sflag:s26] =	ssyncadd.s32 $0xFFFFC000  }
0x1c3: {  	v3 =	vld [tilespmem:$0x3380]  }
0x1c4: {  	v57 =	vld [tilespmem:$0x3390]  }
0x1c5: {  	v58 =	vld [tilespmem:$0x33A0]  }
0x1c6: {  	v59 =	vld [tilespmem:$0x33B0]  }
0x1c7: {  	v60 =	vld [tilespmem:$0x33C0]  }
0x1c8: {  	v61 =	vld [tilespmem:$0x33D0];
	v3 =	vadd.s32 v2, v3  }
0x1c9: {  	v62 =	vld [tilespmem:$0x33E0];
	[tilespmem:$0x3580] =	vst v3;
	v3 =	vadd.s32 v2, v57  }
0x1ca: {  	v63 =	vld [tilespmem:$0x33F0];
	[tilespmem:$0x3590] =	vst v3;
	v3 =	vadd.s32 v2, v58  }
0x1cb: {  	[tilespmem:$0x35A0] =	vst v3;
	v3 =	vadd.s32 v2, v59  }
0x1cc: {  	[tilespmem:$0x35B0] =	vst v3;
	v3 =	vadd.s32 v2, v60  }
0x1cd: {  	[tilespmem:$0x35C0] =	vst v3;
	v3 =	vadd.s32 v2, v61  }
0x1ce: {  	[tilespmem:$0x35D0] =	vst v3;
	v3 =	vadd.s32 v2, v62  }
0x1cf: {  	[tilespmem:$0x35E0] =	vst v3;
	v3 =	vadd.s32 v2, v63  }
0x1d0: {  	[tilespmem:$0x35F0] =	vst v3  }
0x1d1: {  	[tilespmem:s25], [sflag:$0x1] =	stream.indirect.gather [hbm4b:s1+s16], $0x80, s24, s16, $0xb8;
	[tilespmem:$0x13600] =	vst v63  }
0x1d2: {  	_ =	swait.ge [sflag:s21], $0x4000  }
0x1d3: {  	[sflag:s21] =	ssyncset.done $0x0  }
0x1d4: {  	[sflag:s21] =	ssyncadd.s32 $0xFFFFC000  }
0x1d5: {  	[hbm4b:s11+s3] =	stream.linear.scatter [tilespmem:s23], [sflag:$0x2], $0x4000, $0x38;
	[tilespmem:$0x13600] =	vst v63  }
0x1d6: {  	_ =	swait.ge [sflag:s21], $0x4000  }
0x1d7: {  	[sflag:s21] =	ssyncset.done $0x0  }
0x1d8: {  	[sflag:s21] =	ssyncadd.s32 $0xFFFFC000  }
0x1d9: {  	[hbm4b:s12+s3] =	stream.linear.scatter [tilespmem:s25], [sflag:$0x2], $0x4000, $0x38;
	[tilespmem:$0x13600] =	vst v63  }
0x1da: {  	_ =	swait.ge [sflag:s26], $0x4000  }
0x1db: {  	[sflag:s26] =	ssyncset.done $0x0  }
0x1dc: {  	[sflag:s26] =	ssyncadd.s32 $0xFFFFC000  }
0x1dd: {  	_ =	swait.ge [sflag:s26], $0x4000  }
0x1de: {  	[sflag:s26] =	ssyncset.done $0x0  }
0x1df: {  	s28 =	sadd.s32 $0x1, s28;
	[sflag:s26] =	ssyncadd.s32 $0xFFFFC000  }
0x1e0: {  	p0 =	sne.s32 s28, s13;
	_ =	swait.ge [sflag:s26], $0x4000  }
.Ltmp1:
0x1e1: {  	[sflag:s26] =	ssyncset.done $0x0;
	(pc) =	sbr.rel @p0 .LBB2_1-.Ltmp1, $4  }
0x1e2: {  	[sflag:s26] =	ssyncadd.s32 $0xFFFFC000  }
0x1e3: {  	_ =	swait.ge [sflag:s26], $0x4000  }
0x1e4: {  	[sflag:s26] =	ssyncset.done $0x0  }
0x1e5: {  	[sflag:s26] =	ssyncadd.s32 $0xFFFFC000  }
0x1e6: {  	_ =	sfence.sel $0x180000  }
0x1e7: {  	[bflag:$0x0] =	sbarrier.arrive $0xFFFF  }
0x1e8: {  	_ =	strace $0x90000047  }
0x1e9: {  	s0 =	stileid.u32;
	[bflag:$0x2] =	sbarrier.arrive $0xFFFF  }
0x1ea: {  	p0 =	sne.s32 s0, $0x0;
	s0 =	rddreg [dreg:$0x3]  }
0x1eb: {  	s0 =	sadd.s32 @!p0 $0x100000, s0  }
0x1ec: {  	[sflag:s0] =	ssyncadd.tile.s32 @!p0 $0x1;
	_ =	shalt  }
.Lfunc_end2:
_tile_overlayer_lowered:
.L_overlay_start_2:
0x1ed: {  	(tag) =	ssettag $0x2  }
0x1ee: {  	s0 =	rddreg [dreg:$0x0];
	s2 =	stileid.u32  }
0x1ef: {  	s1 =	rddreg [dreg:$0x1];
	p0 =	sne.s32 s2, $0x0  }
0x1f0: {  	s3 =	rddreg [dreg:$0x2];
	[bflag:$0x3] =	sbarrier.arrive $0xFFFF;
	s2 =	simm.s32 @!p0 $0x1C03  }
0x1f1: {  	[timem:s3], [sflag:s2] =	dma.local @!p0 [hbm:s0], s1  }
0x1f2: {  	s0 =	simm.s32 @!p0 $0x3  }
0x1f3: {  	_ =	swait.ge @!p0 [sflag:s0], s1  }
0x1f4: {  	s1 =	ssub.s32 @!p0 $0x0, s1;
	[sflag:s0] =	ssyncset.done @!p0 $0x0  }
0x1f5: {  	[sflag:s0] =	ssyncadd.s32 @!p0 s1  }
0x1f6: {  	[bflag:$0x3] =	sbarrier.arrive $0xFFFF  }
0x1f7: {  	_ =	shalt  }

</sc_bundles>
